<compile_context>
chip_gen: v7x
topology: tpu7x:2x2x1
jax: 0.10.2.dev20260603
libtpu: 0.0.44.dev20260713+nightly
codegen_flags: <defaults>
</compile_context>

<pallas_src>
import functools

import jax
import jax.numpy as jnp
from jax import lax
from jax.experimental import pallas as pl
from jax.experimental.pallas import tpu as pltpu
from jax.experimental.pallas import tpu_sc as plsc


@functools.lru_cache(maxsize=None)
def _make_adj_builder(n_nodes: int, n_edges: int):
    info = plsc.get_sparse_core_info()
    nc, ns, lanes = info.num_cores, info.num_subcores, info.num_lanes
    nw = nc * ns
    cells = n_nodes * n_nodes
    cells_per_sub = cells // ns
    edges_per_tile = n_edges // nw
    chunks = edges_per_tile // lanes

    def body(ei_hbm, w_hbm, out_hbm, src_v, dst_v, w_v, idx_v, shared, res_v,
             sem_in, sem_w):
        cid = lax.axis_index("c")
        sid = lax.axis_index("s")
        wid = sid * nc + cid
        ebase = wid * edges_per_tile
        cp_src = pltpu.async_copy(ei_hbm.at[0, pl.ds(ebase, edges_per_tile)],
                                  src_v, sem_in)
        cp_dst = pltpu.async_copy(ei_hbm.at[1, pl.ds(ebase, edges_per_tile)],
                                  dst_v, sem_in)
        cp_w = pltpu.async_copy(w_hbm.at[pl.ds(ebase, edges_per_tile)], w_v,
                                sem_w)

        zero = jnp.zeros((lanes,), jnp.float32)
        for c in range(cells_per_sub // lanes):
            res_v[pl.ds(c * lanes, lanes)] = zero
        pltpu.sync_copy(res_v, shared.at[pl.ds(sid * cells_per_sub,
                                               cells_per_sub)])
        cp_src.wait()
        cp_dst.wait()
        for c in range(chunks):
            s = src_v[pl.ds(c * lanes, lanes)]
            d = dst_v[pl.ds(c * lanes, lanes)]
            idx_v[pl.ds(c * lanes, lanes)] = d * n_nodes + s
        cp_w.wait()
        plsc.subcore_barrier()

        pltpu.sync_copy(w_v, shared.at[idx_v], add=True)
        plsc.subcore_barrier()

        pltpu.sync_copy(shared.at[pl.ds(sid * cells_per_sub, cells_per_sub)],
                        out_hbm.at[cid, pl.ds(sid * cells_per_sub,
                                              cells_per_sub)])

    return pl.kernel(
        body,
        out_type=jax.ShapeDtypeStruct((nc, cells), jnp.float32),
        mesh=plsc.VectorSubcoreMesh(core_axis_name="c", subcore_axis_name="s"),
        scratch_types=[
            pltpu.VMEM((edges_per_tile,), jnp.int32),
            pltpu.VMEM((edges_per_tile,), jnp.int32),
            pltpu.VMEM((edges_per_tile,), jnp.float32),
            pltpu.VMEM((edges_per_tile,), jnp.int32),
            pltpu.VMEM_SHARED((cells,), jnp.float32),
            pltpu.VMEM((cells_per_sub,), jnp.float32),
            pltpu.SemaphoreType.DMA,
            pltpu.SemaphoreType.DMA,
        ],
    )


def _lane_linear(h, W, bias, b, h_dim):
    cols = [
        jnp.maximum(
            jnp.dot(h[:, j * h_dim:(j + 1) * h_dim], W,
                    preferred_element_type=jnp.float32) + bias[None, :],
            0.0)
        for j in range(b)
    ]
    return jnp.concatenate(cols, axis=1)


def _pre_body(x_ref, wenc_ref, benc_ref, W0_ref, b0_ref, h0_ref, hw1_ref):
    b, n = x_ref.shape
    h_dim = wenc_ref.shape[1]
    xT = x_ref[...].T
    h3 = (xT[:, :, None] * wenc_ref[...][None, :, :]
          + benc_ref[...][None, None, :])
    h = h3.reshape(n, b * h_dim)
    h0_ref[...] = h
    hw1_ref[...] = _lane_linear(h, W0_ref[...], b0_ref[...], b, h_dim)


def _post_body(adj_ref, h0_ref, hw1_ref, W1_ref, b1_ref, Wc1_ref, bc1_ref,
               Wc2_ref, bc2_ref, out_ref):
    h_dim = W1_ref.shape[0]
    b = h0_ref.shape[1] // h_dim
    n = h0_ref.shape[0]
    a_flat = adj_ref[0] + adj_ref[1]
    A = jnp.concatenate(
        [a_flat[j * n:(j + 1) * n][None, :] for j in range(n)], axis=0)
    msg1 = jnp.dot(A, hw1_ref[...], preferred_element_type=jnp.float32)
    h = jnp.maximum(h0_ref[...] + msg1, 0.0)
    hw2 = _lane_linear(h, W1_ref[...], b1_ref[...], b, h_dim)
    msg2 = jnp.dot(A, hw2, preferred_element_type=jnp.float32)
    h = jnp.maximum(h + msg2, 0.0)
    hf = jnp.transpose(h.reshape(n, b, h_dim), (1, 0, 2)).reshape(b, n * h_dim)
    z = jnp.dot(hf, Wc1_ref[...].reshape(n * h_dim, h_dim),
                preferred_element_type=jnp.float32)
    z = jnp.maximum(z + bc1_ref[...][None, :], 0.0)
    out_ref[...] = (jnp.dot(z, Wc2_ref[...], preferred_element_type=jnp.float32)
                    + bc2_ref[...][None, :])


def kernel(x, edge_index, edge_attr, W_enc, b_enc, W0, b0, W1, b1, Wc1, bc1,
           Wc2, bc2):
    batch, n_nodes = x.shape
    n_edges = edge_attr.shape[0]
    h_dim = W_enc.shape[1]
    n_out = Wc2.shape[1]

    adj = _make_adj_builder(n_nodes, n_edges)(edge_index, edge_attr[:, 0])

    h0, hw1 = pl.pallas_call(
        _pre_body,
        out_shape=[
            jax.ShapeDtypeStruct((n_nodes, batch * h_dim), jnp.float32),
            jax.ShapeDtypeStruct((n_nodes, batch * h_dim), jnp.float32),
        ],
    )(x, W_enc, b_enc, W0, b0)

    logits = pl.pallas_call(
        _post_body,
        out_shape=jax.ShapeDtypeStruct((batch, n_out), jnp.float32),
    )(adj, h0, hw1, W1, b1, Wc1.reshape(n_nodes, h_dim, h_dim), bc1, Wc2, bc2)
    return logits

# --- scband reference (transcript-rebuilt; emitter-appended) ---
"""Pipeline reference for scband-cgnn-41137196761319 (READ-ONLY COPY).

The authoritative reference and input builder live on the scoring server;
editing this copy changes nothing except your own understanding.
"""

import jax, jax.numpy as jnp
import numpy as np

B, N, E, H, OUT = 32, 64, 1024, 128, 10

def setup_inputs(seed: int = 0) -> dict:
    key = jax.random.key(seed)
    ks = jax.random.split(key, 16)
    inp = {}
    inp["x"] = jax.random.normal(ks[0], (B, N), dtype=jnp.float32)
    inp["edge_index"] = jax.random.randint(ks[1], (2, E), 0, N, dtype=jnp.int32)
    inp["edge_attr"] = jax.random.uniform(ks[2], (E, 1), dtype=jnp.float32)
    # feature_encoder: Linear(1, H)
    inp["W_enc"] = jax.random.normal(ks[3], (1, H), dtype=jnp.float32) * (1.0 / np.sqrt(1.0))
    inp["b_enc"] = jnp.zeros((H,), dtype=jnp.float32)
    # graph layers: 2 x Linear(H, H)
    inp["W0"] = jax.random.normal(ks[4], (H, H), dtype=jnp.float32) * (1.0 / np.sqrt(H))
    inp["b0"] = jnp.zeros((H,), dtype=jnp.float32)
    inp["W1"] = jax.random.normal(ks[5], (H, H), dtype=jnp.float32) * (1.0 / np.sqrt(H))
    inp["b1"] = jnp.zeros((H,), dtype=jnp.float32)
    # classifier: Linear(H*N, H), ReLU, Linear(H, OUT)
    inp["Wc1"] = jax.random.normal(ks[6], (H * N, H), dtype=jnp.float32) * (1.0 / np.sqrt(H * N))
    inp["bc1"] = jnp.zeros((H,), dtype=jnp.float32)
    inp["Wc2"] = jax.random.normal(ks[7], (H, OUT), dtype=jnp.float32) * (1.0 / np.sqrt(H))
    inp["bc2"] = jnp.zeros((OUT,), dtype=jnp.float32)
    return inp

def reference(x, edge_index, edge_attr, W_enc, b_enc, W0, b0, W1, b1, Wc1, bc1, Wc2, bc2):
    src = edge_index[0]
    dst = edge_index[1]
    w = edge_attr[:, 0]
    # feature encoder: per-sample [N,1] @ [1,H] + b  -> vectorized over batch
    h = x[..., None] @ W_enc + b_enc  # [B, N, H]
    for (W, b) in ((W0, b0), (W1, b1)):
        # layer = Linear + ReLU (Dropout is identity in eval)
        h_new = jax.nn.relu(h @ W + b)  # [B, N, H]
        # messages[dst] += h_new[src] * weight, vectorized over batch
        gathered = h_new[:, src, :] * w[None, :, None]  # [B, E, H]
        messages = jnp.zeros_like(h_new).at[:, dst, :].add(gathered)
        h = jax.nn.relu(h + messages)
    h_flat = h.reshape(h.shape[0], -1)  # [B, N*H]
    z = jax.nn.relu(h_flat @ Wc1 + bc1)
    logits = z @ Wc2 + bc2
    return logits

if __name__ == "__main__":
    import jax
    _d = setup_inputs()
    print(jax.jit(kernel)(*tuple(_d.values())))

</pallas_src>

<mosaic_0001>
#map = affine_map<(d0, d1) -> (0, 0)>
#map1 = affine_map<(d0, d1) -> (0)>
module attributes {stable_mosaic.version = 14 : i64} {
  func.func @body(%arg0: i32, %arg1: i32, %arg2: memref<2x1024xi32, #tpu.memory_space<hbm>>, %arg3: memref<1024xf32, #tpu.memory_space<hbm>>, %arg4: memref<2x4096xf32, #tpu.memory_space<hbm>>, %arg5: memref<32xi32, #tpu.memory_space<vmem>>, %arg6: memref<32xi32, #tpu.memory_space<vmem>>, %arg7: memref<32xf32, #tpu.memory_space<vmem>>, %arg8: memref<32xi32, #tpu.memory_space<vmem>>, %arg9: memref<4096xf32, #tpu.memory_space<vmem_shared>>, %arg10: memref<256xf32, #tpu.memory_space<vmem>>, %arg11: memref<!tpu.dma_semaphore, #tpu.memory_space<semaphore_mem>>, %arg12: memref<!tpu.dma_semaphore, #tpu.memory_space<semaphore_mem>>) attributes {dimension_semantics = [#tpu.dimension_semantics<core_parallel>, #tpu.dimension_semantics<subcore_parallel>], iteration_bounds = array<i64: 2, 16>, scalar_prefetch = 0 : i64, scratch_operands = 8 : i64, tpu.core_type = #tpu.core_type<sc_vector_subcore>, window_params = [{transform_indices = #map}, {transform_indices = #map1}, {transform_indices = #map}]} {
    %mul3A = arith.constant 2 : i32
    %mul3A_0 = arith.muli %arg1, %mul3A : i32
    %add3A = arith.addi %mul3A_0, %arg0 : i32
    %mul3A_1 = arith.constant 32 : i32
    %mul3A_2 = arith.muli %add3A, %mul3A_1 : i32
    %dma_start3A = arith.constant 0 : i32
    %dma_start3A_3 = tpu.memref_slice %arg2[%dma_start3A, %mul3A_2] : memref<2x1024xi32, #tpu.memory_space<hbm>> -> memref<1x32xi32, #tpu.memory_space<hbm>>
    %dma_start3A_4 = tpu.memref_squeeze %dma_start3A_3 : memref<1x32xi32, #tpu.memory_space<hbm>> -> memref<32xi32, #tpu.memory_space<hbm>>
    %dma_start3A_5 = tpu.memref_slice %arg2[%dma_start3A, %mul3A_2] : memref<2x1024xi32, #tpu.memory_space<hbm>> -> memref<1x32xi32, #tpu.memory_space<hbm>>
    %dma_start3A_6 = tpu.memref_squeeze %dma_start3A_5 : memref<1x32xi32, #tpu.memory_space<hbm>> -> memref<32xi32, #tpu.memory_space<hbm>>
    tpu.enqueue_dma source(%dma_start3A_6 : memref<32xi32, #tpu.memory_space<hbm>>) target(%arg5 : memref<32xi32, #tpu.memory_space<vmem>>) target_semaphore(%arg11 : memref<!tpu.dma_semaphore, #tpu.memory_space<semaphore_mem>>)
    %dma_start3A_7 = arith.constant 1 : i32
    %dma_start3A_8 = tpu.memref_slice %arg2[%dma_start3A_7, %mul3A_2] : memref<2x1024xi32, #tpu.memory_space<hbm>> -> memref<1x32xi32, #tpu.memory_space<hbm>>
    %dma_start3A_9 = tpu.memref_squeeze %dma_start3A_8 : memref<1x32xi32, #tpu.memory_space<hbm>> -> memref<32xi32, #tpu.memory_space<hbm>>
    %dma_start3A_10 = tpu.memref_slice %arg2[%dma_start3A_7, %mul3A_2] : memref<2x1024xi32, #tpu.memory_space<hbm>> -> memref<1x32xi32, #tpu.memory_space<hbm>>
    %dma_start3A_11 = tpu.memref_squeeze %dma_start3A_10 : memref<1x32xi32, #tpu.memory_space<hbm>> -> memref<32xi32, #tpu.memory_space<hbm>>
    tpu.enqueue_dma source(%dma_start3A_11 : memref<32xi32, #tpu.memory_space<hbm>>) target(%arg6 : memref<32xi32, #tpu.memory_space<vmem>>) target_semaphore(%arg11 : memref<!tpu.dma_semaphore, #tpu.memory_space<semaphore_mem>>)
    %dma_start3A_12 = tpu.memref_slice %arg3[%mul3A_2] : memref<1024xf32, #tpu.memory_space<hbm>> -> memref<32xf32, #tpu.memory_space<hbm>>
    %dma_start3A_13 = tpu.memref_slice %arg3[%mul3A_2] : memref<1024xf32, #tpu.memory_space<hbm>> -> memref<32xf32, #tpu.memory_space<hbm>>
    tpu.enqueue_dma source(%dma_start3A_13 : memref<32xf32, #tpu.memory_space<hbm>>) target(%arg7 : memref<32xf32, #tpu.memory_space<vmem>>) target_semaphore(%arg12 : memref<!tpu.dma_semaphore, #tpu.memory_space<semaphore_mem>>)
    %broadcast_in_dim3A = arith.constant 0.000000e+00 : f32
    %broadcast_in_dim3A_14 = vector.broadcast %broadcast_in_dim3A : f32 to vector<16xf32>
    %swap3A = arith.constant 0 : index
    %swap3A_15 = tpu.vector_load %arg10[%swap3A] {strides = array<i32>} : memref<256xf32, #tpu.memory_space<vmem>>, vector<16xf32>,
    %swap3A_16 = vector.shape_cast %swap3A_15 : vector<16xf32> to vector<16xf32>
    %swap3A_17 = vector.shape_cast %broadcast_in_dim3A_14 : vector<16xf32> to vector<16xf32>
    tpu.vector_store %arg10[%swap3A], %swap3A_17 {strides = array<i32>} : memref<256xf32, #tpu.memory_space<vmem>>, vector<16xf32>,
    %swap3A_18 = arith.constant 16 : index
    %swap3A_19 = tpu.vector_load %arg10[%swap3A_18] {strides = array<i32>} : memref<256xf32, #tpu.memory_space<vmem>>, vector<16xf32>,
    %swap3A_20 = vector.shape_cast %swap3A_19 : vector<16xf32> to vector<16xf32>
    %swap3A_21 = vector.shape_cast %broadcast_in_dim3A_14 : vector<16xf32> to vector<16xf32>
    tpu.vector_store %arg10[%swap3A_18], %swap3A_21 {strides = array<i32>} : memref<256xf32, #tpu.memory_space<vmem>>, vector<16xf32>,
    %swap3A_22 = arith.constant 32 : index
    %swap3A_23 = tpu.vector_load %arg10[%swap3A_22] {strides = array<i32>} : memref<256xf32, #tpu.memory_space<vmem>>, vector<16xf32>,
    %swap3A_24 = vector.shape_cast %swap3A_23 : vector<16xf32> to vector<16xf32>
    %swap3A_25 = vector.shape_cast %broadcast_in_dim3A_14 : vector<16xf32> to vector<16xf32>
    tpu.vector_store %arg10[%swap3A_22], %swap3A_25 {strides = array<i32>} : memref<256xf32, #tpu.memory_space<vmem>>, vector<16xf32>,
    %swap3A_26 = arith.constant 48 : index
    %swap3A_27 = tpu.vector_load %arg10[%swap3A_26] {strides = array<i32>} : memref<256xf32, #tpu.memory_space<vmem>>, vector<16xf32>,
    %swap3A_28 = vector.shape_cast %swap3A_27 : vector<16xf32> to vector<16xf32>
    %swap3A_29 = vector.shape_cast %broadcast_in_dim3A_14 : vector<16xf32> to vector<16xf32>
    tpu.vector_store %arg10[%swap3A_26], %swap3A_29 {strides = array<i32>} : memref<256xf32, #tpu.memory_space<vmem>>, vector<16xf32>,
    %swap3A_30 = arith.constant 64 : index
    %swap3A_31 = tpu.vector_load %arg10[%swap3A_30] {strides = array<i32>} : memref<256xf32, #tpu.memory_space<vmem>>, vector<16xf32>,
    %swap3A_32 = vector.shape_cast %swap3A_31 : vector<16xf32> to vector<16xf32>
    %swap3A_33 = vector.shape_cast %broadcast_in_dim3A_14 : vector<16xf32> to vector<16xf32>
    tpu.vector_store %arg10[%swap3A_30], %swap3A_33 {strides = array<i32>} : memref<256xf32, #tpu.memory_space<vmem>>, vector<16xf32>,
    %swap3A_34 = arith.constant 80 : index
    %swap3A_35 = tpu.vector_load %arg10[%swap3A_34] {strides = array<i32>} : memref<256xf32, #tpu.memory_space<vmem>>, vector<16xf32>,
    %swap3A_36 = vector.shape_cast %swap3A_35 : vector<16xf32> to vector<16xf32>
    %swap3A_37 = vector.shape_cast %broadcast_in_dim3A_14 : vector<16xf32> to vector<16xf32>
    tpu.vector_store %arg10[%swap3A_34], %swap3A_37 {strides = array<i32>} : memref<256xf32, #tpu.memory_space<vmem>>, vector<16xf32>,
    %swap3A_38 = arith.constant 96 : index
    %swap3A_39 = tpu.vector_load %arg10[%swap3A_38] {strides = array<i32>} : memref<256xf32, #tpu.memory_space<vmem>>, vector<16xf32>,
    %swap3A_40 = vector.shape_cast %swap3A_39 : vector<16xf32> to vector<16xf32>
    %swap3A_41 = vector.shape_cast %broadcast_in_dim3A_14 : vector<16xf32> to vector<16xf32>
    tpu.vector_store %arg10[%swap3A_38], %swap3A_41 {strides = array<i32>} : memref<256xf32, #tpu.memory_space<vmem>>, vector<16xf32>,
    %swap3A_42 = arith.constant 112 : index
    %swap3A_43 = tpu.vector_load %arg10[%swap3A_42] {strides = array<i32>} : memref<256xf32, #tpu.memory_space<vmem>>, vector<16xf32>,
    %swap3A_44 = vector.shape_cast %swap3A_43 : vector<16xf32> to vector<16xf32>
    %swap3A_45 = vector.shape_cast %broadcast_in_dim3A_14 : vector<16xf32> to vector<16xf32>
    tpu.vector_store %arg10[%swap3A_42], %swap3A_45 {strides = array<i32>} : memref<256xf32, #tpu.memory_space<vmem>>, vector<16xf32>,
    %swap3A_46 = arith.constant 128 : index
    %swap3A_47 = tpu.vector_load %arg10[%swap3A_46] {strides = array<i32>} : memref<256xf32, #tpu.memory_space<vmem>>, vector<16xf32>,
    %swap3A_48 = vector.shape_cast %swap3A_47 : vector<16xf32> to vector<16xf32>
    %swap3A_49 = vector.shape_cast %broadcast_in_dim3A_14 : vector<16xf32> to vector<16xf32>
    tpu.vector_store %arg10[%swap3A_46], %swap3A_49 {strides = array<i32>} : memref<256xf32, #tpu.memory_space<vmem>>, vector<16xf32>,
    %swap3A_50 = arith.constant 144 : index
    %swap3A_51 = tpu.vector_load %arg10[%swap3A_50] {strides = array<i32>} : memref<256xf32, #tpu.memory_space<vmem>>, vector<16xf32>,
    %swap3A_52 = vector.shape_cast %swap3A_51 : vector<16xf32> to vector<16xf32>
    %swap3A_53 = vector.shape_cast %broadcast_in_dim3A_14 : vector<16xf32> to vector<16xf32>
    tpu.vector_store %arg10[%swap3A_50], %swap3A_53 {strides = array<i32>} : memref<256xf32, #tpu.memory_space<vmem>>, vector<16xf32>,
    %swap3A_54 = arith.constant 160 : index
    %swap3A_55 = tpu.vector_load %arg10[%swap3A_54] {strides = array<i32>} : memref<256xf32, #tpu.memory_space<vmem>>, vector<16xf32>,
    %swap3A_56 = vector.shape_cast %swap3A_55 : vector<16xf32> to vector<16xf32>
    %swap3A_57 = vector.shape_cast %broadcast_in_dim3A_14 : vector<16xf32> to vector<16xf32>
    tpu.vector_store %arg10[%swap3A_54], %swap3A_57 {strides = array<i32>} : memref<256xf32, #tpu.memory_space<vmem>>, vector<16xf32>,
    %swap3A_58 = arith.constant 176 : index
    %swap3A_59 = tpu.vector_load %arg10[%swap3A_58] {strides = array<i32>} : memref<256xf32, #tpu.memory_space<vmem>>, vector<16xf32>,
    %swap3A_60 = vector.shape_cast %swap3A_59 : vector<16xf32> to vector<16xf32>
    %swap3A_61 = vector.shape_cast %broadcast_in_dim3A_14 : vector<16xf32> to vector<16xf32>
    tpu.vector_store %arg10[%swap3A_58], %swap3A_61 {strides = array<i32>} : memref<256xf32, #tpu.memory_space<vmem>>, vector<16xf32>,
    %swap3A_62 = arith.constant 192 : index
    %swap3A_63 = tpu.vector_load %arg10[%swap3A_62] {strides = array<i32>} : memref<256xf32, #tpu.memory_space<vmem>>, vector<16xf32>,
    %swap3A_64 = vector.shape_cast %swap3A_63 : vector<16xf32> to vector<16xf32>
    %swap3A_65 = vector.shape_cast %broadcast_in_dim3A_14 : vector<16xf32> to vector<16xf32>
    tpu.vector_store %arg10[%swap3A_62], %swap3A_65 {strides = array<i32>} : memref<256xf32, #tpu.memory_space<vmem>>, vector<16xf32>,
    %swap3A_66 = arith.constant 208 : index
    %swap3A_67 = tpu.vector_load %arg10[%swap3A_66] {strides = array<i32>} : memref<256xf32, #tpu.memory_space<vmem>>, vector<16xf32>,
    %swap3A_68 = vector.shape_cast %swap3A_67 : vector<16xf32> to vector<16xf32>
    %swap3A_69 = vector.shape_cast %broadcast_in_dim3A_14 : vector<16xf32> to vector<16xf32>
    tpu.vector_store %arg10[%swap3A_66], %swap3A_69 {strides = array<i32>} : memref<256xf32, #tpu.memory_space<vmem>>, vector<16xf32>,
    %swap3A_70 = arith.constant 224 : index
    %swap3A_71 = tpu.vector_load %arg10[%swap3A_70] {strides = array<i32>} : memref<256xf32, #tpu.memory_space<vmem>>, vector<16xf32>,
    %swap3A_72 = vector.shape_cast %swap3A_71 : vector<16xf32> to vector<16xf32>
    %swap3A_73 = vector.shape_cast %broadcast_in_dim3A_14 : vector<16xf32> to vector<16xf32>
    tpu.vector_store %arg10[%swap3A_70], %swap3A_73 {strides = array<i32>} : memref<256xf32, #tpu.memory_space<vmem>>, vector<16xf32>,
    %swap3A_74 = arith.constant 240 : index
    %swap3A_75 = tpu.vector_load %arg10[%swap3A_74] {strides = array<i32>} : memref<256xf32, #tpu.memory_space<vmem>>, vector<16xf32>,
    %swap3A_76 = vector.shape_cast %swap3A_75 : vector<16xf32> to vector<16xf32>
    %swap3A_77 = vector.shape_cast %broadcast_in_dim3A_14 : vector<16xf32> to vector<16xf32>
    tpu.vector_store %arg10[%swap3A_74], %swap3A_77 {strides = array<i32>} : memref<256xf32, #tpu.memory_space<vmem>>, vector<16xf32>,
    %mul3A_78 = arith.constant 256 : i32
    %mul3A_79 = arith.muli %arg1, %mul3A_78 : i32
    "tpu.region"() ({
      %run_scoped3A = tpu.sem_alloc : memref<!tpu.dma_semaphore, #tpu.memory_space<semaphore_mem>>
      %dma_start3A_123 = tpu.memref_slice %arg9[%mul3A_79] : memref<4096xf32, #tpu.memory_space<vmem_shared>> -> memref<256xf32, #tpu.memory_space<vmem_shared>>
      %dma_start3A_124 = tpu.memref_slice %arg9[%mul3A_79] : memref<4096xf32, #tpu.memory_space<vmem_shared>> -> memref<256xf32, #tpu.memory_space<vmem_shared>>
      tpu.enqueue_dma source(%arg10 : memref<256xf32, #tpu.memory_space<vmem>>) target(%dma_start3A_124 : memref<256xf32, #tpu.memory_space<vmem_shared>>) target_semaphore(%run_scoped3A : memref<!tpu.dma_semaphore, #tpu.memory_space<semaphore_mem>>)
      %dma_wait3A_125 = tpu.memref_slice %arg9[%mul3A_79] : memref<4096xf32, #tpu.memory_space<vmem_shared>> -> memref<256xf32, #tpu.memory_space<vmem_shared>>
      %dma_wait3A_126 = tpu.memref_slice %arg9[%mul3A_79] : memref<4096xf32, #tpu.memory_space<vmem_shared>> -> memref<256xf32, #tpu.memory_space<vmem_shared>>
      tpu.wait_dma2 semaphore(%run_scoped3A : memref<!tpu.dma_semaphore, #tpu.memory_space<semaphore_mem>>) src(%arg10 : memref<256xf32, #tpu.memory_space<vmem>>) dst(%dma_wait3A_126 : memref<256xf32, #tpu.memory_space<vmem_shared>>)
      tpu.yield
    }) : () -> ()
    %dma_wait3A = arith.constant 0 : i32
    %dma_wait3A_80 = tpu.memref_slice %arg2[%dma_wait3A, %mul3A_2] : memref<2x1024xi32, #tpu.memory_space<hbm>> -> memref<1x32xi32, #tpu.memory_space<hbm>>
    %dma_wait3A_81 = tpu.memref_squeeze %dma_wait3A_80 : memref<1x32xi32, #tpu.memory_space<hbm>> -> memref<32xi32, #tpu.memory_space<hbm>>
    %dma_wait3A_82 = tpu.memref_slice %arg2[%dma_wait3A, %mul3A_2] : memref<2x1024xi32, #tpu.memory_space<hbm>> -> memref<1x32xi32, #tpu.memory_space<hbm>>
    %dma_wait3A_83 = tpu.memref_squeeze %dma_wait3A_82 : memref<1x32xi32, #tpu.memory_space<hbm>> -> memref<32xi32, #tpu.memory_space<hbm>>
    tpu.wait_dma2 semaphore(%arg11 : memref<!tpu.dma_semaphore, #tpu.memory_space<semaphore_mem>>) src(%dma_wait3A_83 : memref<32xi32, #tpu.memory_space<hbm>>) dst(%arg5 : memref<32xi32, #tpu.memory_space<vmem>>)
    %dma_wait3A_84 = arith.constant 1 : i32
    %dma_wait3A_85 = tpu.memref_slice %arg2[%dma_wait3A_84, %mul3A_2] : memref<2x1024xi32, #tpu.memory_space<hbm>> -> memref<1x32xi32, #tpu.memory_space<hbm>>
    %dma_wait3A_86 = tpu.memref_squeeze %dma_wait3A_85 : memref<1x32xi32, #tpu.memory_space<hbm>> -> memref<32xi32, #tpu.memory_space<hbm>>
    %dma_wait3A_87 = tpu.memref_slice %arg2[%dma_wait3A_84, %mul3A_2] : memref<2x1024xi32, #tpu.memory_space<hbm>> -> memref<1x32xi32, #tpu.memory_space<hbm>>
    %dma_wait3A_88 = tpu.memref_squeeze %dma_wait3A_87 : memref<1x32xi32, #tpu.memory_space<hbm>> -> memref<32xi32, #tpu.memory_space<hbm>>
    tpu.wait_dma2 semaphore(%arg11 : memref<!tpu.dma_semaphore, #tpu.memory_space<semaphore_mem>>) src(%dma_wait3A_88 : memref<32xi32, #tpu.memory_space<hbm>>) dst(%arg6 : memref<32xi32, #tpu.memory_space<vmem>>)
    %get3A = arith.constant 0 : index
    %get3A_89 = tpu.vector_load %arg5[%get3A] {strides = array<i32>} : memref<32xi32, #tpu.memory_space<vmem>>, vector<16xi32>,
    %get3A_90 = vector.shape_cast %get3A_89 : vector<16xi32> to vector<16xi32>
    %get3A_91 = arith.constant 0 : index
    %get3A_92 = tpu.vector_load %arg6[%get3A_91] {strides = array<i32>} : memref<32xi32, #tpu.memory_space<vmem>>, vector<16xi32>,
    %get3A_93 = vector.shape_cast %get3A_92 : vector<16xi32> to vector<16xi32>
    %mul3A_94 = arith.constant 64 : i32
    %mul3A_95 = vector.broadcast %mul3A_94 : i32 to vector<16xi32>
    %mul3A_96 = arith.muli %get3A_93, %mul3A_95 : vector<16xi32>
    %add3A_97 = arith.addi %mul3A_96, %get3A_90 : vector<16xi32>
    %swap3A_98 = arith.constant 0 : index
    %swap3A_99 = tpu.vector_load %arg8[%swap3A_98] {strides = array<i32>} : memref<32xi32, #tpu.memory_space<vmem>>, vector<16xi32>,
    %swap3A_100 = vector.shape_cast %swap3A_99 : vector<16xi32> to vector<16xi32>
    %swap3A_101 = vector.shape_cast %add3A_97 : vector<16xi32> to vector<16xi32>
    tpu.vector_store %arg8[%swap3A_98], %swap3A_101 {strides = array<i32>} : memref<32xi32, #tpu.memory_space<vmem>>, vector<16xi32>,
    %get3A_102 = arith.constant 16 : index
    %get3A_103 = tpu.vector_load %arg5[%get3A_102] {strides = array<i32>} : memref<32xi32, #tpu.memory_space<vmem>>, vector<16xi32>,
    %get3A_104 = vector.shape_cast %get3A_103 : vector<16xi32> to vector<16xi32>
    %get3A_105 = arith.constant 16 : index
    %get3A_106 = tpu.vector_load %arg6[%get3A_105] {strides = array<i32>} : memref<32xi32, #tpu.memory_space<vmem>>, vector<16xi32>,
    %get3A_107 = vector.shape_cast %get3A_106 : vector<16xi32> to vector<16xi32>
    %mul3A_108 = arith.constant 64 : i32
    %mul3A_109 = vector.broadcast %mul3A_108 : i32 to vector<16xi32>
    %mul3A_110 = arith.muli %get3A_107, %mul3A_109 : vector<16xi32>
    %add3A_111 = arith.addi %mul3A_110, %get3A_104 : vector<16xi32>
    %swap3A_112 = arith.constant 16 : index
    %swap3A_113 = tpu.vector_load %arg8[%swap3A_112] {strides = array<i32>} : memref<32xi32, #tpu.memory_space<vmem>>, vector<16xi32>,
    %swap3A_114 = vector.shape_cast %swap3A_113 : vector<16xi32> to vector<16xi32>
    %swap3A_115 = vector.shape_cast %add3A_111 : vector<16xi32> to vector<16xi32>
    tpu.vector_store %arg8[%swap3A_112], %swap3A_115 {strides = array<i32>} : memref<32xi32, #tpu.memory_space<vmem>>, vector<16xi32>,
    %dma_wait3A_116 = tpu.memref_slice %arg3[%mul3A_2] : memref<1024xf32, #tpu.memory_space<hbm>> -> memref<32xf32, #tpu.memory_space<hbm>>
    %dma_wait3A_117 = tpu.memref_slice %arg3[%mul3A_2] : memref<1024xf32, #tpu.memory_space<hbm>> -> memref<32xf32, #tpu.memory_space<hbm>>
    tpu.wait_dma2 semaphore(%arg12 : memref<!tpu.dma_semaphore, #tpu.memory_space<semaphore_mem>>) src(%dma_wait3A_117 : memref<32xf32, #tpu.memory_space<hbm>>) dst(%arg7 : memref<32xf32, #tpu.memory_space<vmem>>)
    %barrier3A = arith.constant 0 : index
    tpu.barrier barrier_id(%barrier3A)
    "tpu.region"() ({
      %run_scoped3A = tpu.sem_alloc : memref<!tpu.dma_semaphore, #tpu.memory_space<semaphore_mem>>
      %dma_start3A_123 = arith.constant 0 : i32
      %dma_start3A_124 = tpu.memref_slice %arg9[%dma_start3A_123] : memref<4096xf32, #tpu.memory_space<vmem_shared>> -> memref<4096xf32, #tpu.memory_space<vmem_shared>>
      tpu.enqueue_indirect_dma source(%arg7 : memref<32xf32, #tpu.memory_space<vmem>>) target(%dma_start3A_124 : memref<4096xf32, #tpu.memory_space<vmem_shared>>) offsets(%arg8 : memref<32xi32, #tpu.memory_space<vmem>>) semaphore(%run_scoped3A : memref<!tpu.dma_semaphore, #tpu.memory_space<semaphore_mem>>) {add = true}
      %dma_wait3A_125 = arith.constant 0 : i32
      %dma_wait3A_126 = tpu.memref_slice %arg9[%dma_wait3A_125] : memref<4096xf32, #tpu.memory_space<vmem_shared>> -> memref<4096xf32, #tpu.memory_space<vmem_shared>>
      tpu.wait_indirect_dma semaphore(%run_scoped3A : memref<!tpu.dma_semaphore, #tpu.memory_space<semaphore_mem>>) src(%arg7 : memref<32xf32, #tpu.memory_space<vmem>>) dst(%dma_wait3A_126 : memref<4096xf32, #tpu.memory_space<vmem_shared>>)
      tpu.yield
    }) : () -> ()
    %barrier3A_118 = arith.constant 0 : index
    tpu.barrier barrier_id(%barrier3A_118)
    %mul3A_119 = arith.constant 256 : i32
    %mul3A_120 = arith.muli %arg1, %mul3A_119 : i32
    %mul3A_121 = arith.constant 256 : i32
    %mul3A_122 = arith.muli %arg1, %mul3A_121 : i32
    "tpu.region"() ({
      %run_scoped3A = tpu.sem_alloc : memref<!tpu.dma_semaphore, #tpu.memory_space<semaphore_mem>>
      %dma_start3A_123 = tpu.memref_slice %arg4[%arg0, %mul3A_122] : memref<2x4096xf32, #tpu.memory_space<hbm>> -> memref<1x256xf32, #tpu.memory_space<hbm>>
      %dma_start3A_124 = tpu.memref_squeeze %dma_start3A_123 : memref<1x256xf32, #tpu.memory_space<hbm>> -> memref<256xf32, #tpu.memory_space<hbm>>
      %dma_start3A_125 = tpu.memref_slice %arg9[%mul3A_120] : memref<4096xf32, #tpu.memory_space<vmem_shared>> -> memref<256xf32, #tpu.memory_space<vmem_shared>>
      tpu.enqueue_dma source(%dma_start3A_125 : memref<256xf32, #tpu.memory_space<vmem_shared>>) target(%dma_start3A_124 : memref<256xf32, #tpu.memory_space<hbm>>) target_semaphore(%run_scoped3A : memref<!tpu.dma_semaphore, #tpu.memory_space<semaphore_mem>>)
      %dma_wait3A_126 = tpu.memref_slice %arg4[%arg0, %mul3A_122] : memref<2x4096xf32, #tpu.memory_space<hbm>> -> memref<1x256xf32, #tpu.memory_space<hbm>>
      %dma_wait3A_127 = tpu.memref_squeeze %dma_wait3A_126 : memref<1x256xf32, #tpu.memory_space<hbm>> -> memref<256xf32, #tpu.memory_space<hbm>>
      %dma_wait3A_128 = tpu.memref_slice %arg9[%mul3A_120] : memref<4096xf32, #tpu.memory_space<vmem_shared>> -> memref<256xf32, #tpu.memory_space<vmem_shared>>
      tpu.wait_dma2 semaphore(%run_scoped3A : memref<!tpu.dma_semaphore, #tpu.memory_space<semaphore_mem>>) src(%dma_wait3A_128 : memref<256xf32, #tpu.memory_space<vmem_shared>>) dst(%dma_wait3A_127 : memref<256xf32, #tpu.memory_space<hbm>>)
      tpu.yield
    }) : () -> ()
    return
  }
}

module attributes {stable_mosaic.version = 14 : i64} {
  func.func @_pre_body(%arg0: memref<32x64xf32, #tpu.memory_space<vmem>>, %arg1: memref<1x128xf32, #tpu.memory_space<vmem>>, %arg2: memref<128xf32, #tpu.memory_space<vmem>>, %arg3: memref<128x128xf32, #tpu.memory_space<vmem>>, %arg4: memref<128xf32, #tpu.memory_space<vmem>>, %arg5: memref<64x4096xf32, #tpu.memory_space<vmem>>, %arg6: memref<64x4096xf32, #tpu.memory_space<vmem>>) attributes {dimension_semantics = [], scalar_prefetch = 0 : i64, scratch_operands = 0 : i64, tpu.core_type = #tpu.core_type<tc>} {
    %get3A = arith.constant 0 : index
    %get3A_0 = arith.constant 0 : index
    %get3A_1 = vector.load %arg0[%get3A, %get3A_0] : memref<32x64xf32, #tpu.memory_space<vmem>>, vector<32x64xf32>
    %transpose3A = tpu.transpose %get3A_1, [1, 0] : vector<32x64xf32> -> vector<64x32xf32>
    %broadcast_in_dim3A = vector.shape_cast %transpose3A : vector<64x32xf32> to vector<64x32x1xf32>
    %get3A_2 = arith.constant 0 : index
    %get3A_3 = arith.constant 0 : index
    %get3A_4 = vector.load %arg1[%get3A_2, %get3A_3] : memref<1x128xf32, #tpu.memory_space<vmem>>, vector<1x128xf32>
    %broadcast_in_dim3A_5 = vector.shape_cast %get3A_4 : vector<1x128xf32> to vector<1x1x128xf32>
    %mul3A = vector.broadcast %broadcast_in_dim3A : vector<64x32x1xf32> to vector<64x32x128xf32>
    %mul3A_6 = vector.broadcast %broadcast_in_dim3A_5 : vector<1x1x128xf32> to vector<64x32x128xf32>
    %mul3A_7 = arith.mulf %mul3A, %mul3A_6 : vector<64x32x128xf32>
    %get3A_8 = arith.constant 0 : index
    %get3A_9 = vector.load %arg2[%get3A_8] : memref<128xf32, #tpu.memory_space<vmem>>, vector<128xf32>
    %broadcast_in_dim3A_10 = vector.shape_cast %get3A_9 : vector<128xf32> to vector<1x1x128xf32>
    %add3A = vector.broadcast %broadcast_in_dim3A_10 : vector<1x1x128xf32> to vector<64x32x128xf32>
    %add3A_11 = arith.addf %mul3A_7, %add3A : vector<64x32x128xf32>
    %reshape3A = vector.shape_cast %add3A_11 : vector<64x32x128xf32> to vector<64x4096xf32>
    %swap3A = arith.constant 0 : index
    %swap3A_12 = arith.constant 0 : index
    %swap3A_13 = vector.load %arg5[%swap3A, %swap3A_12] : memref<64x4096xf32, #tpu.memory_space<vmem>>, vector<64x4096xf32>
    tpu.vector_store %arg5[%swap3A, %swap3A_12], %reshape3A {strides = array<i32>} : memref<64x4096xf32, #tpu.memory_space<vmem>>, vector<64x4096xf32>,
    %get3A_14 = arith.constant 0 : index
    %get3A_15 = arith.constant 0 : index
    %get3A_16 = vector.load %arg3[%get3A_14, %get3A_15] : memref<128x128xf32, #tpu.memory_space<vmem>>, vector<128x128xf32>
    %get3A_17 = arith.constant 0 : index
    %get3A_18 = vector.load %arg4[%get3A_17] : memref<128xf32, #tpu.memory_space<vmem>>, vector<128xf32>
    %slice3A = vector.extract_strided_slice %reshape3A {offsets = [0, 0], sizes = [64, 128], strides = [1, 1]} : vector<64x4096xf32> to vector<64x128xf32>
    %dot_general3A = arith.constant dense<0.000000e+00> : vector<64x128xf32>
    %dot_general3A_19 = tpu.matmul %slice3A, %get3A_16, %dot_general3A {dimension_numbers = #tpu.dot_dimension_numbers<[1], [0], [0], [1], [0, 0, 1, 1], [], []>, transpose_lhs_hint = false} : vector<64x128xf32>, vector<128x128xf32>, vector<64x128xf32> -> vector<64x128xf32>
    %broadcast_in_dim3A_20 = vector.shape_cast %get3A_18 : vector<128xf32> to vector<1x128xf32>
    %add3A_21 = vector.broadcast %broadcast_in_dim3A_20 : vector<1x128xf32> to vector<64x128xf32>
    %add3A_22 = arith.addf %dot_general3A_19, %add3A_21 : vector<64x128xf32>
    %max3A = arith.constant 0.000000e+00 : f32
    %max3A_23 = vector.broadcast %max3A : f32 to vector<64x128xf32>
    %max3A_24 = arith.maximumf %add3A_22, %max3A_23 : vector<64x128xf32>
    %slice3A_25 = vector.extract_strided_slice %reshape3A {offsets = [0, 128], sizes = [64, 128], strides = [1, 1]} : vector<64x4096xf32> to vector<64x128xf32>
    %dot_general3A_26 = arith.constant dense<0.000000e+00> : vector<64x128xf32>
    %dot_general3A_27 = tpu.matmul %slice3A_25, %get3A_16, %dot_general3A_26 {dimension_numbers = #tpu.dot_dimension_numbers<[1], [0], [0], [1], [0, 0, 1, 1], [], []>, transpose_lhs_hint = false} : vector<64x128xf32>, vector<128x128xf32>, vector<64x128xf32> -> vector<64x128xf32>
    %broadcast_in_dim3A_28 = vector.shape_cast %get3A_18 : vector<128xf32> to vector<1x128xf32>
    %add3A_29 = vector.broadcast %broadcast_in_dim3A_28 : vector<1x128xf32> to vector<64x128xf32>
    %add3A_30 = arith.addf %dot_general3A_27, %add3A_29 : vector<64x128xf32>
    %max3A_31 = arith.constant 0.000000e+00 : f32
    %max3A_32 = vector.broadcast %max3A_31 : f32 to vector<64x128xf32>
    %max3A_33 = arith.maximumf %add3A_30, %max3A_32 : vector<64x128xf32>
    %slice3A_34 = vector.extract_strided_slice %reshape3A {offsets = [0, 256], sizes = [64, 128], strides = [1, 1]} : vector<64x4096xf32> to vector<64x128xf32>
    %dot_general3A_35 = arith.constant dense<0.000000e+00> : vector<64x128xf32>
    %dot_general3A_36 = tpu.matmul %slice3A_34, %get3A_16, %dot_general3A_35 {dimension_numbers = #tpu.dot_dimension_numbers<[1], [0], [0], [1], [0, 0, 1, 1], [], []>, transpose_lhs_hint = false} : vector<64x128xf32>, vector<128x128xf32>, vector<64x128xf32> -> vector<64x128xf32>
    %broadcast_in_dim3A_37 = vector.shape_cast %get3A_18 : vector<128xf32> to vector<1x128xf32>
    %add3A_38 = vector.broadcast %broadcast_in_dim3A_37 : vector<1x128xf32> to vector<64x128xf32>
    %add3A_39 = arith.addf %dot_general3A_36, %add3A_38 : vector<64x128xf32>
    %max3A_40 = arith.constant 0.000000e+00 : f32
    %max3A_41 = vector.broadcast %max3A_40 : f32 to vector<64x128xf32>
    %max3A_42 = arith.maximumf %add3A_39, %max3A_41 : vector<64x128xf32>
    %slice3A_43 = vector.extract_strided_slice %reshape3A {offsets = [0, 384], sizes = [64, 128], strides = [1, 1]} : vector<64x4096xf32> to vector<64x128xf32>
    %dot_general3A_44 = arith.constant dense<0.000000e+00> : vector<64x128xf32>
    %dot_general3A_45 = tpu.matmul %slice3A_43, %get3A_16, %dot_general3A_44 {dimension_numbers = #tpu.dot_dimension_numbers<[1], [0], [0], [1], [0, 0, 1, 1], [], []>, transpose_lhs_hint = false} : vector<64x128xf32>, vector<128x128xf32>, vector<64x128xf32> -> vector<64x128xf32>
    %broadcast_in_dim3A_46 = vector.shape_cast %get3A_18 : vector<128xf32> to vector<1x128xf32>
    %add3A_47 = vector.broadcast %broadcast_in_dim3A_46 : vector<1x128xf32> to vector<64x128xf32>
    %add3A_48 = arith.addf %dot_general3A_45, %add3A_47 : vector<64x128xf32>
    %max3A_49 = arith.constant 0.000000e+00 : f32
    %max3A_50 = vector.broadcast %max3A_49 : f32 to vector<64x128xf32>
    %max3A_51 = arith.maximumf %add3A_48, %max3A_50 : vector<64x128xf32>
    %slice3A_52 = vector.extract_strided_slice %reshape3A {offsets = [0, 512], sizes = [64, 128], strides = [1, 1]} : vector<64x4096xf32> to vector<64x128xf32>
    %dot_general3A_53 = arith.constant dense<0.000000e+00> : vector<64x128xf32>
    %dot_general3A_54 = tpu.matmul %slice3A_52, %get3A_16, %dot_general3A_53 {dimension_numbers = #tpu.dot_dimension_numbers<[1], [0], [0], [1], [0, 0, 1, 1], [], []>, transpose_lhs_hint = false} : vector<64x128xf32>, vector<128x128xf32>, vector<64x128xf32> -> vector<64x128xf32>
    %broadcast_in_dim3A_55 = vector.shape_cast %get3A_18 : vector<128xf32> to vector<1x128xf32>
    %add3A_56 = vector.broadcast %broadcast_in_dim3A_55 : vector<1x128xf32> to vector<64x128xf32>
    %add3A_57 = arith.addf %dot_general3A_54, %add3A_56 : vector<64x128xf32>
    %max3A_58 = arith.constant 0.000000e+00 : f32
    %max3A_59 = vector.broadcast %max3A_58 : f32 to vector<64x128xf32>
    %max3A_60 = arith.maximumf %add3A_57, %max3A_59 : vector<64x128xf32>
    %slice3A_61 = vector.extract_strided_slice %reshape3A {offsets = [0, 640], sizes = [64, 128], strides = [1, 1]} : vector<64x4096xf32> to vector<64x128xf32>
    %dot_general3A_62 = arith.constant dense<0.000000e+00> : vector<64x128xf32>
    %dot_general3A_63 = tpu.matmul %slice3A_61, %get3A_16, %dot_general3A_62 {dimension_numbers = #tpu.dot_dimension_numbers<[1], [0], [0], [1], [0, 0, 1, 1], [], []>, transpose_lhs_hint = false} : vector<64x128xf32>, vector<128x128xf32>, vector<64x128xf32> -> vector<64x128xf32>
    %broadcast_in_dim3A_64 = vector.shape_cast %get3A_18 : vector<128xf32> to vector<1x128xf32>
    %add3A_65 = vector.broadcast %broadcast_in_dim3A_64 : vector<1x128xf32> to vector<64x128xf32>
    %add3A_66 = arith.addf %dot_general3A_63, %add3A_65 : vector<64x128xf32>
    %max3A_67 = arith.constant 0.000000e+00 : f32
    %max3A_68 = vector.broadcast %max3A_67 : f32 to vector<64x128xf32>
    %max3A_69 = arith.maximumf %add3A_66, %max3A_68 : vector<64x128xf32>
    %slice3A_70 = vector.extract_strided_slice %reshape3A {offsets = [0, 768], sizes = [64, 128], strides = [1, 1]} : vector<64x4096xf32> to vector<64x128xf32>
    %dot_general3A_71 = arith.constant dense<0.000000e+00> : vector<64x128xf32>
    %dot_general3A_72 = tpu.matmul %slice3A_70, %get3A_16, %dot_general3A_71 {dimension_numbers = #tpu.dot_dimension_numbers<[1], [0], [0], [1], [0, 0, 1, 1], [], []>, transpose_lhs_hint = false} : vector<64x128xf32>, vector<128x128xf32>, vector<64x128xf32> -> vector<64x128xf32>
    %broadcast_in_dim3A_73 = vector.shape_cast %get3A_18 : vector<128xf32> to vector<1x128xf32>
    %add3A_74 = vector.broadcast %broadcast_in_dim3A_73 : vector<1x128xf32> to vector<64x128xf32>
    %add3A_75 = arith.addf %dot_general3A_72, %add3A_74 : vector<64x128xf32>
    %max3A_76 = arith.constant 0.000000e+00 : f32
    %max3A_77 = vector.broadcast %max3A_76 : f32 to vector<64x128xf32>
    %max3A_78 = arith.maximumf %add3A_75, %max3A_77 : vector<64x128xf32>
    %slice3A_79 = vector.extract_strided_slice %reshape3A {offsets = [0, 896], sizes = [64, 128], strides = [1, 1]} : vector<64x4096xf32> to vector<64x128xf32>
    %dot_general3A_80 = arith.constant dense<0.000000e+00> : vector<64x128xf32>
    %dot_general3A_81 = tpu.matmul %slice3A_79, %get3A_16, %dot_general3A_80 {dimension_numbers = #tpu.dot_dimension_numbers<[1], [0], [0], [1], [0, 0, 1, 1], [], []>, transpose_lhs_hint = false} : vector<64x128xf32>, vector<128x128xf32>, vector<64x128xf32> -> vector<64x128xf32>
    %broadcast_in_dim3A_82 = vector.shape_cast %get3A_18 : vector<128xf32> to vector<1x128xf32>
    %add3A_83 = vector.broadcast %broadcast_in_dim3A_82 : vector<1x128xf32> to vector<64x128xf32>
    %add3A_84 = arith.addf %dot_general3A_81, %add3A_83 : vector<64x128xf32>
    %max3A_85 = arith.constant 0.000000e+00 : f32
    %max3A_86 = vector.broadcast %max3A_85 : f32 to vector<64x128xf32>
    %max3A_87 = arith.maximumf %add3A_84, %max3A_86 : vector<64x128xf32>
    %slice3A_88 = vector.extract_strided_slice %reshape3A {offsets = [0, 1024], sizes = [64, 128], strides = [1, 1]} : vector<64x4096xf32> to vector<64x128xf32>
    %dot_general3A_89 = arith.constant dense<0.000000e+00> : vector<64x128xf32>
    %dot_general3A_90 = tpu.matmul %slice3A_88, %get3A_16, %dot_general3A_89 {dimension_numbers = #tpu.dot_dimension_numbers<[1], [0], [0], [1], [0, 0, 1, 1], [], []>, transpose_lhs_hint = false} : vector<64x128xf32>, vector<128x128xf32>, vector<64x128xf32> -> vector<64x128xf32>
    %broadcast_in_dim3A_91 = vector.shape_cast %get3A_18 : vector<128xf32> to vector<1x128xf32>
    %add3A_92 = vector.broadcast %broadcast_in_dim3A_91 : vector<1x128xf32> to vector<64x128xf32>
    %add3A_93 = arith.addf %dot_general3A_90, %add3A_92 : vector<64x128xf32>
    %max3A_94 = arith.constant 0.000000e+00 : f32
    %max3A_95 = vector.broadcast %max3A_94 : f32 to vector<64x128xf32>
    %max3A_96 = arith.maximumf %add3A_93, %max3A_95 : vector<64x128xf32>
    %slice3A_97 = vector.extract_strided_slice %reshape3A {offsets = [0, 1152], sizes = [64, 128], strides = [1, 1]} : vector<64x4096xf32> to vector<64x128xf32>
    %dot_general3A_98 = arith.constant dense<0.000000e+00> : vector<64x128xf32>
    %dot_general3A_99 = tpu.matmul %slice3A_97, %get3A_16, %dot_general3A_98 {dimension_numbers = #tpu.dot_dimension_numbers<[1], [0], [0], [1], [0, 0, 1, 1], [], []>, transpose_lhs_hint = false} : vector<64x128xf32>, vector<128x128xf32>, vector<64x128xf32> -> vector<64x128xf32>
    %broadcast_in_dim3A_100 = vector.shape_cast %get3A_18 : vector<128xf32> to vector<1x128xf32>
    %add3A_101 = vector.broadcast %broadcast_in_dim3A_100 : vector<1x128xf32> to vector<64x128xf32>
    %add3A_102 = arith.addf %dot_general3A_99, %add3A_101 : vector<64x128xf32>
    %max3A_103 = arith.constant 0.000000e+00 : f32
    %max3A_104 = vector.broadcast %max3A_103 : f32 to vector<64x128xf32>
    %max3A_105 = arith.maximumf %add3A_102, %max3A_104 : vector<64x128xf32>
    %slice3A_106 = vector.extract_strided_slice %reshape3A {offsets = [0, 1280], sizes = [64, 128], strides = [1, 1]} : vector<64x4096xf32> to vector<64x128xf32>
    %dot_general3A_107 = arith.constant dense<0.000000e+00> : vector<64x128xf32>
    %dot_general3A_108 = tpu.matmul %slice3A_106, %get3A_16, %dot_general3A_107 {dimension_numbers = #tpu.dot_dimension_numbers<[1], [0], [0], [1], [0, 0, 1, 1], [], []>, transpose_lhs_hint = false} : vector<64x128xf32>, vector<128x128xf32>, vector<64x128xf32> -> vector<64x128xf32>
    %broadcast_in_dim3A_109 = vector.shape_cast %get3A_18 : vector<128xf32> to vector<1x128xf32>
    %add3A_110 = vector.broadcast %broadcast_in_dim3A_109 : vector<1x128xf32> to vector<64x128xf32>
    %add3A_111 = arith.addf %dot_general3A_108, %add3A_110 : vector<64x128xf32>
    %max3A_112 = arith.constant 0.000000e+00 : f32
    %max3A_113 = vector.broadcast %max3A_112 : f32 to vector<64x128xf32>
    %max3A_114 = arith.maximumf %add3A_111, %max3A_113 : vector<64x128xf32>
    %slice3A_115 = vector.extract_strided_slice %reshape3A {offsets = [0, 1408], sizes = [64, 128], strides = [1, 1]} : vector<64x4096xf32> to vector<64x128xf32>
    %dot_general3A_116 = arith.constant dense<0.000000e+00> : vector<64x128xf32>
    %dot_general3A_117 = tpu.matmul %slice3A_115, %get3A_16, %dot_general3A_116 {dimension_numbers = #tpu.dot_dimension_numbers<[1], [0], [0], [1], [0, 0, 1, 1], [], []>, transpose_lhs_hint = false} : vector<64x128xf32>, vector<128x128xf32>, vector<64x128xf32> -> vector<64x128xf32>
    %broadcast_in_dim3A_118 = vector.shape_cast %get3A_18 : vector<128xf32> to vector<1x128xf32>
    %add3A_119 = vector.broadcast %broadcast_in_dim3A_118 : vector<1x128xf32> to vector<64x128xf32>
    %add3A_120 = arith.addf %dot_general3A_117, %add3A_119 : vector<64x128xf32>
    %max3A_121 = arith.constant 0.000000e+00 : f32
    %max3A_122 = vector.broadcast %max3A_121 : f32 to vector<64x128xf32>
    %max3A_123 = arith.maximumf %add3A_120, %max3A_122 : vector<64x128xf32>
    %slice3A_124 = vector.extract_strided_slice %reshape3A {offsets = [0, 1536], sizes = [64, 128], strides = [1, 1]} : vector<64x4096xf32> to vector<64x128xf32>
    %dot_general3A_125 = arith.constant dense<0.000000e+00> : vector<64x128xf32>
    %dot_general3A_126 = tpu.matmul %slice3A_124, %get3A_16, %dot_general3A_125 {dimension_numbers = #tpu.dot_dimension_numbers<[1], [0], [0], [1], [0, 0, 1, 1], [], []>, transpose_lhs_hint = false} : vector<64x128xf32>, vector<128x128xf32>, vector<64x128xf32> -> vector<64x128xf32>
    %broadcast_in_dim3A_127 = vector.shape_cast %get3A_18 : vector<128xf32> to vector<1x128xf32>
    %add3A_128 = vector.broadcast %broadcast_in_dim3A_127 : vector<1x128xf32> to vector<64x128xf32>
    %add3A_129 = arith.addf %dot_general3A_126, %add3A_128 : vector<64x128xf32>
    %max3A_130 = arith.constant 0.000000e+00 : f32
    %max3A_131 = vector.broadcast %max3A_130 : f32 to vector<64x128xf32>
    %max3A_132 = arith.maximumf %add3A_129, %max3A_131 : vector<64x128xf32>
    %slice3A_133 = vector.extract_strided_slice %reshape3A {offsets = [0, 1664], sizes = [64, 128], strides = [1, 1]} : vector<64x4096xf32> to vector<64x128xf32>
    %dot_general3A_134 = arith.constant dense<0.000000e+00> : vector<64x128xf32>
    %dot_general3A_135 = tpu.matmul %slice3A_133, %get3A_16, %dot_general3A_134 {dimension_numbers = #tpu.dot_dimension_numbers<[1], [0], [0], [1], [0, 0, 1, 1], [], []>, transpose_lhs_hint = false} : vector<64x128xf32>, vector<128x128xf32>, vector<64x128xf32> -> vector<64x128xf32>
    %broadcast_in_dim3A_136 = vector.shape_cast %get3A_18 : vector<128xf32> to vector<1x128xf32>
    %add3A_137 = vector.broadcast %broadcast_in_dim3A_136 : vector<1x128xf32> to vector<64x128xf32>
    %add3A_138 = arith.addf %dot_general3A_135, %add3A_137 : vector<64x128xf32>
    %max3A_139 = arith.constant 0.000000e+00 : f32
    %max3A_140 = vector.broadcast %max3A_139 : f32 to vector<64x128xf32>
    %max3A_141 = arith.maximumf %add3A_138, %max3A_140 : vector<64x128xf32>
    %slice3A_142 = vector.extract_strided_slice %reshape3A {offsets = [0, 1792], sizes = [64, 128], strides = [1, 1]} : vector<64x4096xf32> to vector<64x128xf32>
    %dot_general3A_143 = arith.constant dense<0.000000e+00> : vector<64x128xf32>
    %dot_general3A_144 = tpu.matmul %slice3A_142, %get3A_16, %dot_general3A_143 {dimension_numbers = #tpu.dot_dimension_numbers<[1], [0], [0], [1], [0, 0, 1, 1], [], []>, transpose_lhs_hint = false} : vector<64x128xf32>, vector<128x128xf32>, vector<64x128xf32> -> vector<64x128xf32>
    %broadcast_in_dim3A_145 = vector.shape_cast %get3A_18 : vector<128xf32> to vector<1x128xf32>
    %add3A_146 = vector.broadcast %broadcast_in_dim3A_145 : vector<1x128xf32> to vector<64x128xf32>
    %add3A_147 = arith.addf %dot_general3A_144, %add3A_146 : vector<64x128xf32>
    %max3A_148 = arith.constant 0.000000e+00 : f32
    %max3A_149 = vector.broadcast %max3A_148 : f32 to vector<64x128xf32>
    %max3A_150 = arith.maximumf %add3A_147, %max3A_149 : vector<64x128xf32>
    %slice3A_151 = vector.extract_strided_slice %reshape3A {offsets = [0, 1920], sizes = [64, 128], strides = [1, 1]} : vector<64x4096xf32> to vector<64x128xf32>
    %dot_general3A_152 = arith.constant dense<0.000000e+00> : vector<64x128xf32>
    %dot_general3A_153 = tpu.matmul %slice3A_151, %get3A_16, %dot_general3A_152 {dimension_numbers = #tpu.dot_dimension_numbers<[1], [0], [0], [1], [0, 0, 1, 1], [], []>, transpose_lhs_hint = false} : vector<64x128xf32>, vector<128x128xf32>, vector<64x128xf32> -> vector<64x128xf32>
    %broadcast_in_dim3A_154 = vector.shape_cast %get3A_18 : vector<128xf32> to vector<1x128xf32>
    %add3A_155 = vector.broadcast %broadcast_in_dim3A_154 : vector<1x128xf32> to vector<64x128xf32>
    %add3A_156 = arith.addf %dot_general3A_153, %add3A_155 : vector<64x128xf32>
    %max3A_157 = arith.constant 0.000000e+00 : f32
    %max3A_158 = vector.broadcast %max3A_157 : f32 to vector<64x128xf32>
    %max3A_159 = arith.maximumf %add3A_156, %max3A_158 : vector<64x128xf32>
    %slice3A_160 = vector.extract_strided_slice %reshape3A {offsets = [0, 2048], sizes = [64, 128], strides = [1, 1]} : vector<64x4096xf32> to vector<64x128xf32>
    %dot_general3A_161 = arith.constant dense<0.000000e+00> : vector<64x128xf32>
    %dot_general3A_162 = tpu.matmul %slice3A_160, %get3A_16, %dot_general3A_161 {dimension_numbers = #tpu.dot_dimension_numbers<[1], [0], [0], [1], [0, 0, 1, 1], [], []>, transpose_lhs_hint = false} : vector<64x128xf32>, vector<128x128xf32>, vector<64x128xf32> -> vector<64x128xf32>
    %broadcast_in_dim3A_163 = vector.shape_cast %get3A_18 : vector<128xf32> to vector<1x128xf32>
    %add3A_164 = vector.broadcast %broadcast_in_dim3A_163 : vector<1x128xf32> to vector<64x128xf32>
    %add3A_165 = arith.addf %dot_general3A_162, %add3A_164 : vector<64x128xf32>
    %max3A_166 = arith.constant 0.000000e+00 : f32
    %max3A_167 = vector.broadcast %max3A_166 : f32 to vector<64x128xf32>
    %max3A_168 = arith.maximumf %add3A_165, %max3A_167 : vector<64x128xf32>
    %slice3A_169 = vector.extract_strided_slice %reshape3A {offsets = [0, 2176], sizes = [64, 128], strides = [1, 1]} : vector<64x4096xf32> to vector<64x128xf32>
    %dot_general3A_170 = arith.constant dense<0.000000e+00> : vector<64x128xf32>
    %dot_general3A_171 = tpu.matmul %slice3A_169, %get3A_16, %dot_general3A_170 {dimension_numbers = #tpu.dot_dimension_numbers<[1], [0], [0], [1], [0, 0, 1, 1], [], []>, transpose_lhs_hint = false} : vector<64x128xf32>, vector<128x128xf32>, vector<64x128xf32> -> vector<64x128xf32>
    %broadcast_in_dim3A_172 = vector.shape_cast %get3A_18 : vector<128xf32> to vector<1x128xf32>
    %add3A_173 = vector.broadcast %broadcast_in_dim3A_172 : vector<1x128xf32> to vector<64x128xf32>
    %add3A_174 = arith.addf %dot_general3A_171, %add3A_173 : vector<64x128xf32>
    %max3A_175 = arith.constant 0.000000e+00 : f32
    %max3A_176 = vector.broadcast %max3A_175 : f32 to vector<64x128xf32>
    %max3A_177 = arith.maximumf %add3A_174, %max3A_176 : vector<64x128xf32>
    %slice3A_178 = vector.extract_strided_slice %reshape3A {offsets = [0, 2304], sizes = [64, 128], strides = [1, 1]} : vector<64x4096xf32> to vector<64x128xf32>
    %dot_general3A_179 = arith.constant dense<0.000000e+00> : vector<64x128xf32>
    %dot_general3A_180 = tpu.matmul %slice3A_178, %get3A_16, %dot_general3A_179 {dimension_numbers = #tpu.dot_dimension_numbers<[1], [0], [0], [1], [0, 0, 1, 1], [], []>, transpose_lhs_hint = false} : vector<64x128xf32>, vector<128x128xf32>, vector<64x128xf32> -> vector<64x128xf32>
    %broadcast_in_dim3A_181 = vector.shape_cast %get3A_18 : vector<128xf32> to vector<1x128xf32>
    %add3A_182 = vector.broadcast %broadcast_in_dim3A_181 : vector<1x128xf32> to vector<64x128xf32>
    %add3A_183 = arith.addf %dot_general3A_180, %add3A_182 : vector<64x128xf32>
    %max3A_184 = arith.constant 0.000000e+00 : f32
    %max3A_185 = vector.broadcast %max3A_184 : f32 to vector<64x128xf32>
    %max3A_186 = arith.maximumf %add3A_183, %max3A_185 : vector<64x128xf32>
    %slice3A_187 = vector.extract_strided_slice %reshape3A {offsets = [0, 2432], sizes = [64, 128], strides = [1, 1]} : vector<64x4096xf32> to vector<64x128xf32>
    %dot_general3A_188 = arith.constant dense<0.000000e+00> : vector<64x128xf32>
    %dot_general3A_189 = tpu.matmul %slice3A_187, %get3A_16, %dot_general3A_188 {dimension_numbers = #tpu.dot_dimension_numbers<[1], [0], [0], [1], [0, 0, 1, 1], [], []>, transpose_lhs_hint = false} : vector<64x128xf32>, vector<128x128xf32>, vector<64x128xf32> -> vector<64x128xf32>
    %broadcast_in_dim3A_190 = vector.shape_cast %get3A_18 : vector<128xf32> to vector<1x128xf32>
    %add3A_191 = vector.broadcast %broadcast_in_dim3A_190 : vector<1x128xf32> to vector<64x128xf32>
    %add3A_192 = arith.addf %dot_general3A_189, %add3A_191 : vector<64x128xf32>
    %max3A_193 = arith.constant 0.000000e+00 : f32
    %max3A_194 = vector.broadcast %max3A_193 : f32 to vector<64x128xf32>
    %max3A_195 = arith.maximumf %add3A_192, %max3A_194 : vector<64x128xf32>
    %slice3A_196 = vector.extract_strided_slice %reshape3A {offsets = [0, 2560], sizes = [64, 128], strides = [1, 1]} : vector<64x4096xf32> to vector<64x128xf32>
    %dot_general3A_197 = arith.constant dense<0.000000e+00> : vector<64x128xf32>
    %dot_general3A_198 = tpu.matmul %slice3A_196, %get3A_16, %dot_general3A_197 {dimension_numbers = #tpu.dot_dimension_numbers<[1], [0], [0], [1], [0, 0, 1, 1], [], []>, transpose_lhs_hint = false} : vector<64x128xf32>, vector<128x128xf32>, vector<64x128xf32> -> vector<64x128xf32>
    %broadcast_in_dim3A_199 = vector.shape_cast %get3A_18 : vector<128xf32> to vector<1x128xf32>
    %add3A_200 = vector.broadcast %broadcast_in_dim3A_199 : vector<1x128xf32> to vector<64x128xf32>
    %add3A_201 = arith.addf %dot_general3A_198, %add3A_200 : vector<64x128xf32>
    %max3A_202 = arith.constant 0.000000e+00 : f32
    %max3A_203 = vector.broadcast %max3A_202 : f32 to vector<64x128xf32>
    %max3A_204 = arith.maximumf %add3A_201, %max3A_203 : vector<64x128xf32>
    %slice3A_205 = vector.extract_strided_slice %reshape3A {offsets = [0, 2688], sizes = [64, 128], strides = [1, 1]} : vector<64x4096xf32> to vector<64x128xf32>
    %dot_general3A_206 = arith.constant dense<0.000000e+00> : vector<64x128xf32>
    %dot_general3A_207 = tpu.matmul %slice3A_205, %get3A_16, %dot_general3A_206 {dimension_numbers = #tpu.dot_dimension_numbers<[1], [0], [0], [1], [0, 0, 1, 1], [], []>, transpose_lhs_hint = false} : vector<64x128xf32>, vector<128x128xf32>, vector<64x128xf32> -> vector<64x128xf32>
    %broadcast_in_dim3A_208 = vector.shape_cast %get3A_18 : vector<128xf32> to vector<1x128xf32>
    %add3A_209 = vector.broadcast %broadcast_in_dim3A_208 : vector<1x128xf32> to vector<64x128xf32>
    %add3A_210 = arith.addf %dot_general3A_207, %add3A_209 : vector<64x128xf32>
    %max3A_211 = arith.constant 0.000000e+00 : f32
    %max3A_212 = vector.broadcast %max3A_211 : f32 to vector<64x128xf32>
    %max3A_213 = arith.maximumf %add3A_210, %max3A_212 : vector<64x128xf32>
    %slice3A_214 = vector.extract_strided_slice %reshape3A {offsets = [0, 2816], sizes = [64, 128], strides = [1, 1]} : vector<64x4096xf32> to vector<64x128xf32>
    %dot_general3A_215 = arith.constant dense<0.000000e+00> : vector<64x128xf32>
    %dot_general3A_216 = tpu.matmul %slice3A_214, %get3A_16, %dot_general3A_215 {dimension_numbers = #tpu.dot_dimension_numbers<[1], [0], [0], [1], [0, 0, 1, 1], [], []>, transpose_lhs_hint = false} : vector<64x128xf32>, vector<128x128xf32>, vector<64x128xf32> -> vector<64x128xf32>
    %broadcast_in_dim3A_217 = vector.shape_cast %get3A_18 : vector<128xf32> to vector<1x128xf32>
    %add3A_218 = vector.broadcast %broadcast_in_dim3A_217 : vector<1x128xf32> to vector<64x128xf32>
    %add3A_219 = arith.addf %dot_general3A_216, %add3A_218 : vector<64x128xf32>
    %max3A_220 = arith.constant 0.000000e+00 : f32
    %max3A_221 = vector.broadcast %max3A_220 : f32 to vector<64x128xf32>
    %max3A_222 = arith.maximumf %add3A_219, %max3A_221 : vector<64x128xf32>
    %slice3A_223 = vector.extract_strided_slice %reshape3A {offsets = [0, 2944], sizes = [64, 128], strides = [1, 1]} : vector<64x4096xf32> to vector<64x128xf32>
    %dot_general3A_224 = arith.constant dense<0.000000e+00> : vector<64x128xf32>
    %dot_general3A_225 = tpu.matmul %slice3A_223, %get3A_16, %dot_general3A_224 {dimension_numbers = #tpu.dot_dimension_numbers<[1], [0], [0], [1], [0, 0, 1, 1], [], []>, transpose_lhs_hint = false} : vector<64x128xf32>, vector<128x128xf32>, vector<64x128xf32> -> vector<64x128xf32>
    %broadcast_in_dim3A_226 = vector.shape_cast %get3A_18 : vector<128xf32> to vector<1x128xf32>
    %add3A_227 = vector.broadcast %broadcast_in_dim3A_226 : vector<1x128xf32> to vector<64x128xf32>
    %add3A_228 = arith.addf %dot_general3A_225, %add3A_227 : vector<64x128xf32>
    %max3A_229 = arith.constant 0.000000e+00 : f32
    %max3A_230 = vector.broadcast %max3A_229 : f32 to vector<64x128xf32>
    %max3A_231 = arith.maximumf %add3A_228, %max3A_230 : vector<64x128xf32>
    %slice3A_232 = vector.extract_strided_slice %reshape3A {offsets = [0, 3072], sizes = [64, 128], strides = [1, 1]} : vector<64x4096xf32> to vector<64x128xf32>
    %dot_general3A_233 = arith.constant dense<0.000000e+00> : vector<64x128xf32>
    %dot_general3A_234 = tpu.matmul %slice3A_232, %get3A_16, %dot_general3A_233 {dimension_numbers = #tpu.dot_dimension_numbers<[1], [0], [0], [1], [0, 0, 1, 1], [], []>, transpose_lhs_hint = false} : vector<64x128xf32>, vector<128x128xf32>, vector<64x128xf32> -> vector<64x128xf32>
    %broadcast_in_dim3A_235 = vector.shape_cast %get3A_18 : vector<128xf32> to vector<1x128xf32>
    %add3A_236 = vector.broadcast %broadcast_in_dim3A_235 : vector<1x128xf32> to vector<64x128xf32>
    %add3A_237 = arith.addf %dot_general3A_234, %add3A_236 : vector<64x128xf32>
    %max3A_238 = arith.constant 0.000000e+00 : f32
    %max3A_239 = vector.broadcast %max3A_238 : f32 to vector<64x128xf32>
    %max3A_240 = arith.maximumf %add3A_237, %max3A_239 : vector<64x128xf32>
    %slice3A_241 = vector.extract_strided_slice %reshape3A {offsets = [0, 3200], sizes = [64, 128], strides = [1, 1]} : vector<64x4096xf32> to vector<64x128xf32>
    %dot_general3A_242 = arith.constant dense<0.000000e+00> : vector<64x128xf32>
    %dot_general3A_243 = tpu.matmul %slice3A_241, %get3A_16, %dot_general3A_242 {dimension_numbers = #tpu.dot_dimension_numbers<[1], [0], [0], [1], [0, 0, 1, 1], [], []>, transpose_lhs_hint = false} : vector<64x128xf32>, vector<128x128xf32>, vector<64x128xf32> -> vector<64x128xf32>
    %broadcast_in_dim3A_244 = vector.shape_cast %get3A_18 : vector<128xf32> to vector<1x128xf32>
    %add3A_245 = vector.broadcast %broadcast_in_dim3A_244 : vector<1x128xf32> to vector<64x128xf32>
    %add3A_246 = arith.addf %dot_general3A_243, %add3A_245 : vector<64x128xf32>
    %max3A_247 = arith.constant 0.000000e+00 : f32
    %max3A_248 = vector.broadcast %max3A_247 : f32 to vector<64x128xf32>
    %max3A_249 = arith.maximumf %add3A_246, %max3A_248 : vector<64x128xf32>
    %slice3A_250 = vector.extract_strided_slice %reshape3A {offsets = [0, 3328], sizes = [64, 128], strides = [1, 1]} : vector<64x4096xf32> to vector<64x128xf32>
    %dot_general3A_251 = arith.constant dense<0.000000e+00> : vector<64x128xf32>
    %dot_general3A_252 = tpu.matmul %slice3A_250, %get3A_16, %dot_general3A_251 {dimension_numbers = #tpu.dot_dimension_numbers<[1], [0], [0], [1], [0, 0, 1, 1], [], []>, transpose_lhs_hint = false} : vector<64x128xf32>, vector<128x128xf32>, vector<64x128xf32> -> vector<64x128xf32>
    %broadcast_in_dim3A_253 = vector.shape_cast %get3A_18 : vector<128xf32> to vector<1x128xf32>
    %add3A_254 = vector.broadcast %broadcast_in_dim3A_253 : vector<1x128xf32> to vector<64x128xf32>
    %add3A_255 = arith.addf %dot_general3A_252, %add3A_254 : vector<64x128xf32>
    %max3A_256 = arith.constant 0.000000e+00 : f32
    %max3A_257 = vector.broadcast %max3A_256 : f32 to vector<64x128xf32>
    %max3A_258 = arith.maximumf %add3A_255, %max3A_257 : vector<64x128xf32>
    %slice3A_259 = vector.extract_strided_slice %reshape3A {offsets = [0, 3456], sizes = [64, 128], strides = [1, 1]} : vector<64x4096xf32> to vector<64x128xf32>
    %dot_general3A_260 = arith.constant dense<0.000000e+00> : vector<64x128xf32>
    %dot_general3A_261 = tpu.matmul %slice3A_259, %get3A_16, %dot_general3A_260 {dimension_numbers = #tpu.dot_dimension_numbers<[1], [0], [0], [1], [0, 0, 1, 1], [], []>, transpose_lhs_hint = false} : vector<64x128xf32>, vector<128x128xf32>, vector<64x128xf32> -> vector<64x128xf32>
    %broadcast_in_dim3A_262 = vector.shape_cast %get3A_18 : vector<128xf32> to vector<1x128xf32>
    %add3A_263 = vector.broadcast %broadcast_in_dim3A_262 : vector<1x128xf32> to vector<64x128xf32>
    %add3A_264 = arith.addf %dot_general3A_261, %add3A_263 : vector<64x128xf32>
    %max3A_265 = arith.constant 0.000000e+00 : f32
    %max3A_266 = vector.broadcast %max3A_265 : f32 to vector<64x128xf32>
    %max3A_267 = arith.maximumf %add3A_264, %max3A_266 : vector<64x128xf32>
    %slice3A_268 = vector.extract_strided_slice %reshape3A {offsets = [0, 3584], sizes = [64, 128], strides = [1, 1]} : vector<64x4096xf32> to vector<64x128xf32>
    %dot_general3A_269 = arith.constant dense<0.000000e+00> : vector<64x128xf32>
    %dot_general3A_270 = tpu.matmul %slice3A_268, %get3A_16, %dot_general3A_269 {dimension_numbers = #tpu.dot_dimension_numbers<[1], [0], [0], [1], [0, 0, 1, 1], [], []>, transpose_lhs_hint = false} : vector<64x128xf32>, vector<128x128xf32>, vector<64x128xf32> -> vector<64x128xf32>
    %broadcast_in_dim3A_271 = vector.shape_cast %get3A_18 : vector<128xf32> to vector<1x128xf32>
    %add3A_272 = vector.broadcast %broadcast_in_dim3A_271 : vector<1x128xf32> to vector<64x128xf32>
    %add3A_273 = arith.addf %dot_general3A_270, %add3A_272 : vector<64x128xf32>
    %max3A_274 = arith.constant 0.000000e+00 : f32
    %max3A_275 = vector.broadcast %max3A_274 : f32 to vector<64x128xf32>
    %max3A_276 = arith.maximumf %add3A_273, %max3A_275 : vector<64x128xf32>
    %slice3A_277 = vector.extract_strided_slice %reshape3A {offsets = [0, 3712], sizes = [64, 128], strides = [1, 1]} : vector<64x4096xf32> to vector<64x128xf32>
    %dot_general3A_278 = arith.constant dense<0.000000e+00> : vector<64x128xf32>
    %dot_general3A_279 = tpu.matmul %slice3A_277, %get3A_16, %dot_general3A_278 {dimension_numbers = #tpu.dot_dimension_numbers<[1], [0], [0], [1], [0, 0, 1, 1], [], []>, transpose_lhs_hint = false} : vector<64x128xf32>, vector<128x128xf32>, vector<64x128xf32> -> vector<64x128xf32>
    %broadcast_in_dim3A_280 = vector.shape_cast %get3A_18 : vector<128xf32> to vector<1x128xf32>
    %add3A_281 = vector.broadcast %broadcast_in_dim3A_280 : vector<1x128xf32> to vector<64x128xf32>
    %add3A_282 = arith.addf %dot_general3A_279, %add3A_281 : vector<64x128xf32>
    %max3A_283 = arith.constant 0.000000e+00 : f32
    %max3A_284 = vector.broadcast %max3A_283 : f32 to vector<64x128xf32>
    %max3A_285 = arith.maximumf %add3A_282, %max3A_284 : vector<64x128xf32>
    %slice3A_286 = vector.extract_strided_slice %reshape3A {offsets = [0, 3840], sizes = [64, 128], strides = [1, 1]} : vector<64x4096xf32> to vector<64x128xf32>
    %dot_general3A_287 = arith.constant dense<0.000000e+00> : vector<64x128xf32>
    %dot_general3A_288 = tpu.matmul %slice3A_286, %get3A_16, %dot_general3A_287 {dimension_numbers = #tpu.dot_dimension_numbers<[1], [0], [0], [1], [0, 0, 1, 1], [], []>, transpose_lhs_hint = false} : vector<64x128xf32>, vector<128x128xf32>, vector<64x128xf32> -> vector<64x128xf32>
    %broadcast_in_dim3A_289 = vector.shape_cast %get3A_18 : vector<128xf32> to vector<1x128xf32>
    %add3A_290 = vector.broadcast %broadcast_in_dim3A_289 : vector<1x128xf32> to vector<64x128xf32>
    %add3A_291 = arith.addf %dot_general3A_288, %add3A_290 : vector<64x128xf32>
    %max3A_292 = arith.constant 0.000000e+00 : f32
    %max3A_293 = vector.broadcast %max3A_292 : f32 to vector<64x128xf32>
    %max3A_294 = arith.maximumf %add3A_291, %max3A_293 : vector<64x128xf32>
    %slice3A_295 = vector.extract_strided_slice %reshape3A {offsets = [0, 3968], sizes = [64, 128], strides = [1, 1]} : vector<64x4096xf32> to vector<64x128xf32>
    %dot_general3A_296 = arith.constant dense<0.000000e+00> : vector<64x128xf32>
    %dot_general3A_297 = tpu.matmul %slice3A_295, %get3A_16, %dot_general3A_296 {dimension_numbers = #tpu.dot_dimension_numbers<[1], [0], [0], [1], [0, 0, 1, 1], [], []>, transpose_lhs_hint = false} : vector<64x128xf32>, vector<128x128xf32>, vector<64x128xf32> -> vector<64x128xf32>
    %broadcast_in_dim3A_298 = vector.shape_cast %get3A_18 : vector<128xf32> to vector<1x128xf32>
    %add3A_299 = vector.broadcast %broadcast_in_dim3A_298 : vector<1x128xf32> to vector<64x128xf32>
    %add3A_300 = arith.addf %dot_general3A_297, %add3A_299 : vector<64x128xf32>
    %max3A_301 = arith.constant 0.000000e+00 : f32
    %max3A_302 = vector.broadcast %max3A_301 : f32 to vector<64x128xf32>
    %max3A_303 = arith.maximumf %add3A_300, %max3A_302 : vector<64x128xf32>
    %concatenate3A = tpu.concatenate %max3A_24, %max3A_33, %max3A_42, %max3A_51, %max3A_60, %max3A_69, %max3A_78, %max3A_87, %max3A_96, %max3A_105, %max3A_114, %max3A_123, %max3A_132, %max3A_141, %max3A_150, %max3A_159, %max3A_168, %max3A_177, %max3A_186, %max3A_195, %max3A_204, %max3A_213, %max3A_222, %max3A_231, %max3A_240, %max3A_249, %max3A_258, %max3A_267, %max3A_276, %max3A_285, %max3A_294, %max3A_303 in 1 : vector<64x128xf32>, vector<64x128xf32>, vector<64x128xf32>, vector<64x128xf32>, vector<64x128xf32>, vector<64x128xf32>, vector<64x128xf32>, vector<64x128xf32>, vector<64x128xf32>, vector<64x128xf32>, vector<64x128xf32>, vector<64x128xf32>, vector<64x128xf32>, vector<64x128xf32>, vector<64x128xf32>, vector<64x128xf32>, vector<64x128xf32>, vector<64x128xf32>, vector<64x128xf32>, vector<64x128xf32>, vector<64x128xf32>, vector<64x128xf32>, vector<64x128xf32>, vector<64x128xf32>, vector<64x128xf32>, vector<64x128xf32>, vector<64x128xf32>, vector<64x128xf32>, vector<64x128xf32>, vector<64x128xf32>, vector<64x128xf32>, vector<64x128xf32> -> vector<64x4096xf32>
    %swap3A_304 = arith.constant 0 : index
    %swap3A_305 = arith.constant 0 : index
    %swap3A_306 = vector.load %arg6[%swap3A_304, %swap3A_305] : memref<64x4096xf32, #tpu.memory_space<vmem>>, vector<64x4096xf32>
    tpu.vector_store %arg6[%swap3A_304, %swap3A_305], %concatenate3A {strides = array<i32>} : memref<64x4096xf32, #tpu.memory_space<vmem>>, vector<64x4096xf32>,
    return
  }
}

module attributes {stable_mosaic.version = 14 : i64} {
  func.func @_post_body(%arg0: memref<2x4096xf32, #tpu.memory_space<vmem>>, %arg1: memref<64x4096xf32, #tpu.memory_space<vmem>>, %arg2: memref<64x4096xf32, #tpu.memory_space<vmem>>, %arg3: memref<128x128xf32, #tpu.memory_space<vmem>>, %arg4: memref<128xf32, #tpu.memory_space<vmem>>, %arg5: memref<64x128x128xf32, #tpu.memory_space<vmem>>, %arg6: memref<128xf32, #tpu.memory_space<vmem>>, %arg7: memref<128x10xf32, #tpu.memory_space<vmem>>, %arg8: memref<10xf32, #tpu.memory_space<vmem>>, %arg9: memref<32x10xf32, #tpu.memory_space<vmem>>) attributes {dimension_semantics = [], scalar_prefetch = 0 : i64, scratch_operands = 0 : i64, tpu.core_type = #tpu.core_type<tc>} {
    %get3A = arith.constant 0 : index
    %get3A_0 = arith.constant 0 : index
    %get3A_1 = vector.load %arg0[%get3A, %get3A_0] : memref<2x4096xf32, #tpu.memory_space<vmem>>, vector<1x4096xf32>
    %get3A_2 = vector.shape_cast %get3A_1 : vector<1x4096xf32> to vector<4096xf32>
    %get3A_3 = arith.constant 1 : index
    %get3A_4 = arith.constant 0 : index
    %get3A_5 = vector.load %arg0[%get3A_3, %get3A_4] : memref<2x4096xf32, #tpu.memory_space<vmem>>, vector<1x4096xf32>
    %get3A_6 = vector.shape_cast %get3A_5 : vector<1x4096xf32> to vector<4096xf32>
    %add3A = arith.addf %get3A_2, %get3A_6 : vector<4096xf32>
    %slice3A = vector.extract_strided_slice %add3A {offsets = [0], sizes = [64], strides = [1]} : vector<4096xf32> to vector<64xf32>
    %broadcast_in_dim3A = vector.shape_cast %slice3A : vector<64xf32> to vector<1x64xf32>
    %slice3A_7 = vector.extract_strided_slice %add3A {offsets = [64], sizes = [64], strides = [1]} : vector<4096xf32> to vector<64xf32>
    %broadcast_in_dim3A_8 = vector.shape_cast %slice3A_7 : vector<64xf32> to vector<1x64xf32>
    %slice3A_9 = vector.extract_strided_slice %add3A {offsets = [128], sizes = [64], strides = [1]} : vector<4096xf32> to vector<64xf32>
    %broadcast_in_dim3A_10 = vector.shape_cast %slice3A_9 : vector<64xf32> to vector<1x64xf32>
    %slice3A_11 = vector.extract_strided_slice %add3A {offsets = [192], sizes = [64], strides = [1]} : vector<4096xf32> to vector<64xf32>
    %broadcast_in_dim3A_12 = vector.shape_cast %slice3A_11 : vector<64xf32> to vector<1x64xf32>
    %slice3A_13 = vector.extract_strided_slice %add3A {offsets = [256], sizes = [64], strides = [1]} : vector<4096xf32> to vector<64xf32>
    %broadcast_in_dim3A_14 = vector.shape_cast %slice3A_13 : vector<64xf32> to vector<1x64xf32>
    %slice3A_15 = vector.extract_strided_slice %add3A {offsets = [320], sizes = [64], strides = [1]} : vector<4096xf32> to vector<64xf32>
    %broadcast_in_dim3A_16 = vector.shape_cast %slice3A_15 : vector<64xf32> to vector<1x64xf32>
    %slice3A_17 = vector.extract_strided_slice %add3A {offsets = [384], sizes = [64], strides = [1]} : vector<4096xf32> to vector<64xf32>
    %broadcast_in_dim3A_18 = vector.shape_cast %slice3A_17 : vector<64xf32> to vector<1x64xf32>
    %slice3A_19 = vector.extract_strided_slice %add3A {offsets = [448], sizes = [64], strides = [1]} : vector<4096xf32> to vector<64xf32>
    %broadcast_in_dim3A_20 = vector.shape_cast %slice3A_19 : vector<64xf32> to vector<1x64xf32>
    %slice3A_21 = vector.extract_strided_slice %add3A {offsets = [512], sizes = [64], strides = [1]} : vector<4096xf32> to vector<64xf32>
    %broadcast_in_dim3A_22 = vector.shape_cast %slice3A_21 : vector<64xf32> to vector<1x64xf32>
    %slice3A_23 = vector.extract_strided_slice %add3A {offsets = [576], sizes = [64], strides = [1]} : vector<4096xf32> to vector<64xf32>
    %broadcast_in_dim3A_24 = vector.shape_cast %slice3A_23 : vector<64xf32> to vector<1x64xf32>
    %slice3A_25 = vector.extract_strided_slice %add3A {offsets = [640], sizes = [64], strides = [1]} : vector<4096xf32> to vector<64xf32>
    %broadcast_in_dim3A_26 = vector.shape_cast %slice3A_25 : vector<64xf32> to vector<1x64xf32>
    %slice3A_27 = vector.extract_strided_slice %add3A {offsets = [704], sizes = [64], strides = [1]} : vector<4096xf32> to vector<64xf32>
    %broadcast_in_dim3A_28 = vector.shape_cast %slice3A_27 : vector<64xf32> to vector<1x64xf32>
    %slice3A_29 = vector.extract_strided_slice %add3A {offsets = [768], sizes = [64], strides = [1]} : vector<4096xf32> to vector<64xf32>
    %broadcast_in_dim3A_30 = vector.shape_cast %slice3A_29 : vector<64xf32> to vector<1x64xf32>
    %slice3A_31 = vector.extract_strided_slice %add3A {offsets = [832], sizes = [64], strides = [1]} : vector<4096xf32> to vector<64xf32>
    %broadcast_in_dim3A_32 = vector.shape_cast %slice3A_31 : vector<64xf32> to vector<1x64xf32>
    %slice3A_33 = vector.extract_strided_slice %add3A {offsets = [896], sizes = [64], strides = [1]} : vector<4096xf32> to vector<64xf32>
    %broadcast_in_dim3A_34 = vector.shape_cast %slice3A_33 : vector<64xf32> to vector<1x64xf32>
    %slice3A_35 = vector.extract_strided_slice %add3A {offsets = [960], sizes = [64], strides = [1]} : vector<4096xf32> to vector<64xf32>
    %broadcast_in_dim3A_36 = vector.shape_cast %slice3A_35 : vector<64xf32> to vector<1x64xf32>
    %slice3A_37 = vector.extract_strided_slice %add3A {offsets = [1024], sizes = [64], strides = [1]} : vector<4096xf32> to vector<64xf32>
    %broadcast_in_dim3A_38 = vector.shape_cast %slice3A_37 : vector<64xf32> to vector<1x64xf32>
    %slice3A_39 = vector.extract_strided_slice %add3A {offsets = [1088], sizes = [64], strides = [1]} : vector<4096xf32> to vector<64xf32>
    %broadcast_in_dim3A_40 = vector.shape_cast %slice3A_39 : vector<64xf32> to vector<1x64xf32>
    %slice3A_41 = vector.extract_strided_slice %add3A {offsets = [1152], sizes = [64], strides = [1]} : vector<4096xf32> to vector<64xf32>
    %broadcast_in_dim3A_42 = vector.shape_cast %slice3A_41 : vector<64xf32> to vector<1x64xf32>
    %slice3A_43 = vector.extract_strided_slice %add3A {offsets = [1216], sizes = [64], strides = [1]} : vector<4096xf32> to vector<64xf32>
    %broadcast_in_dim3A_44 = vector.shape_cast %slice3A_43 : vector<64xf32> to vector<1x64xf32>
    %slice3A_45 = vector.extract_strided_slice %add3A {offsets = [1280], sizes = [64], strides = [1]} : vector<4096xf32> to vector<64xf32>
    %broadcast_in_dim3A_46 = vector.shape_cast %slice3A_45 : vector<64xf32> to vector<1x64xf32>
    %slice3A_47 = vector.extract_strided_slice %add3A {offsets = [1344], sizes = [64], strides = [1]} : vector<4096xf32> to vector<64xf32>
    %broadcast_in_dim3A_48 = vector.shape_cast %slice3A_47 : vector<64xf32> to vector<1x64xf32>
    %slice3A_49 = vector.extract_strided_slice %add3A {offsets = [1408], sizes = [64], strides = [1]} : vector<4096xf32> to vector<64xf32>
    %broadcast_in_dim3A_50 = vector.shape_cast %slice3A_49 : vector<64xf32> to vector<1x64xf32>
    %slice3A_51 = vector.extract_strided_slice %add3A {offsets = [1472], sizes = [64], strides = [1]} : vector<4096xf32> to vector<64xf32>
    %broadcast_in_dim3A_52 = vector.shape_cast %slice3A_51 : vector<64xf32> to vector<1x64xf32>
    %slice3A_53 = vector.extract_strided_slice %add3A {offsets = [1536], sizes = [64], strides = [1]} : vector<4096xf32> to vector<64xf32>
    %broadcast_in_dim3A_54 = vector.shape_cast %slice3A_53 : vector<64xf32> to vector<1x64xf32>
    %slice3A_55 = vector.extract_strided_slice %add3A {offsets = [1600], sizes = [64], strides = [1]} : vector<4096xf32> to vector<64xf32>
    %broadcast_in_dim3A_56 = vector.shape_cast %slice3A_55 : vector<64xf32> to vector<1x64xf32>
    %slice3A_57 = vector.extract_strided_slice %add3A {offsets = [1664], sizes = [64], strides = [1]} : vector<4096xf32> to vector<64xf32>
    %broadcast_in_dim3A_58 = vector.shape_cast %slice3A_57 : vector<64xf32> to vector<1x64xf32>
    %slice3A_59 = vector.extract_strided_slice %add3A {offsets = [1728], sizes = [64], strides = [1]} : vector<4096xf32> to vector<64xf32>
    %broadcast_in_dim3A_60 = vector.shape_cast %slice3A_59 : vector<64xf32> to vector<1x64xf32>
    %slice3A_61 = vector.extract_strided_slice %add3A {offsets = [1792], sizes = [64], strides = [1]} : vector<4096xf32> to vector<64xf32>
    %broadcast_in_dim3A_62 = vector.shape_cast %slice3A_61 : vector<64xf32> to vector<1x64xf32>
    %slice3A_63 = vector.extract_strided_slice %add3A {offsets = [1856], sizes = [64], strides = [1]} : vector<4096xf32> to vector<64xf32>
    %broadcast_in_dim3A_64 = vector.shape_cast %slice3A_63 : vector<64xf32> to vector<1x64xf32>
    %slice3A_65 = vector.extract_strided_slice %add3A {offsets = [1920], sizes = [64], strides = [1]} : vector<4096xf32> to vector<64xf32>
    %broadcast_in_dim3A_66 = vector.shape_cast %slice3A_65 : vector<64xf32> to vector<1x64xf32>
    %slice3A_67 = vector.extract_strided_slice %add3A {offsets = [1984], sizes = [64], strides = [1]} : vector<4096xf32> to vector<64xf32>
    %broadcast_in_dim3A_68 = vector.shape_cast %slice3A_67 : vector<64xf32> to vector<1x64xf32>
    %slice3A_69 = vector.extract_strided_slice %add3A {offsets = [2048], sizes = [64], strides = [1]} : vector<4096xf32> to vector<64xf32>
    %broadcast_in_dim3A_70 = vector.shape_cast %slice3A_69 : vector<64xf32> to vector<1x64xf32>
    %slice3A_71 = vector.extract_strided_slice %add3A {offsets = [2112], sizes = [64], strides = [1]} : vector<4096xf32> to vector<64xf32>
    %broadcast_in_dim3A_72 = vector.shape_cast %slice3A_71 : vector<64xf32> to vector<1x64xf32>
    %slice3A_73 = vector.extract_strided_slice %add3A {offsets = [2176], sizes = [64], strides = [1]} : vector<4096xf32> to vector<64xf32>
    %broadcast_in_dim3A_74 = vector.shape_cast %slice3A_73 : vector<64xf32> to vector<1x64xf32>
    %slice3A_75 = vector.extract_strided_slice %add3A {offsets = [2240], sizes = [64], strides = [1]} : vector<4096xf32> to vector<64xf32>
    %broadcast_in_dim3A_76 = vector.shape_cast %slice3A_75 : vector<64xf32> to vector<1x64xf32>
    %slice3A_77 = vector.extract_strided_slice %add3A {offsets = [2304], sizes = [64], strides = [1]} : vector<4096xf32> to vector<64xf32>
    %broadcast_in_dim3A_78 = vector.shape_cast %slice3A_77 : vector<64xf32> to vector<1x64xf32>
    %slice3A_79 = vector.extract_strided_slice %add3A {offsets = [2368], sizes = [64], strides = [1]} : vector<4096xf32> to vector<64xf32>
    %broadcast_in_dim3A_80 = vector.shape_cast %slice3A_79 : vector<64xf32> to vector<1x64xf32>
    %slice3A_81 = vector.extract_strided_slice %add3A {offsets = [2432], sizes = [64], strides = [1]} : vector<4096xf32> to vector<64xf32>
    %broadcast_in_dim3A_82 = vector.shape_cast %slice3A_81 : vector<64xf32> to vector<1x64xf32>
    %slice3A_83 = vector.extract_strided_slice %add3A {offsets = [2496], sizes = [64], strides = [1]} : vector<4096xf32> to vector<64xf32>
    %broadcast_in_dim3A_84 = vector.shape_cast %slice3A_83 : vector<64xf32> to vector<1x64xf32>
    %slice3A_85 = vector.extract_strided_slice %add3A {offsets = [2560], sizes = [64], strides = [1]} : vector<4096xf32> to vector<64xf32>
    %broadcast_in_dim3A_86 = vector.shape_cast %slice3A_85 : vector<64xf32> to vector<1x64xf32>
    %slice3A_87 = vector.extract_strided_slice %add3A {offsets = [2624], sizes = [64], strides = [1]} : vector<4096xf32> to vector<64xf32>
    %broadcast_in_dim3A_88 = vector.shape_cast %slice3A_87 : vector<64xf32> to vector<1x64xf32>
    %slice3A_89 = vector.extract_strided_slice %add3A {offsets = [2688], sizes = [64], strides = [1]} : vector<4096xf32> to vector<64xf32>
    %broadcast_in_dim3A_90 = vector.shape_cast %slice3A_89 : vector<64xf32> to vector<1x64xf32>
    %slice3A_91 = vector.extract_strided_slice %add3A {offsets = [2752], sizes = [64], strides = [1]} : vector<4096xf32> to vector<64xf32>
    %broadcast_in_dim3A_92 = vector.shape_cast %slice3A_91 : vector<64xf32> to vector<1x64xf32>
    %slice3A_93 = vector.extract_strided_slice %add3A {offsets = [2816], sizes = [64], strides = [1]} : vector<4096xf32> to vector<64xf32>
    %broadcast_in_dim3A_94 = vector.shape_cast %slice3A_93 : vector<64xf32> to vector<1x64xf32>
    %slice3A_95 = vector.extract_strided_slice %add3A {offsets = [2880], sizes = [64], strides = [1]} : vector<4096xf32> to vector<64xf32>
    %broadcast_in_dim3A_96 = vector.shape_cast %slice3A_95 : vector<64xf32> to vector<1x64xf32>
    %slice3A_97 = vector.extract_strided_slice %add3A {offsets = [2944], sizes = [64], strides = [1]} : vector<4096xf32> to vector<64xf32>
    %broadcast_in_dim3A_98 = vector.shape_cast %slice3A_97 : vector<64xf32> to vector<1x64xf32>
    %slice3A_99 = vector.extract_strided_slice %add3A {offsets = [3008], sizes = [64], strides = [1]} : vector<4096xf32> to vector<64xf32>
    %broadcast_in_dim3A_100 = vector.shape_cast %slice3A_99 : vector<64xf32> to vector<1x64xf32>
    %slice3A_101 = vector.extract_strided_slice %add3A {offsets = [3072], sizes = [64], strides = [1]} : vector<4096xf32> to vector<64xf32>
    %broadcast_in_dim3A_102 = vector.shape_cast %slice3A_101 : vector<64xf32> to vector<1x64xf32>
    %slice3A_103 = vector.extract_strided_slice %add3A {offsets = [3136], sizes = [64], strides = [1]} : vector<4096xf32> to vector<64xf32>
    %broadcast_in_dim3A_104 = vector.shape_cast %slice3A_103 : vector<64xf32> to vector<1x64xf32>
    %slice3A_105 = vector.extract_strided_slice %add3A {offsets = [3200], sizes = [64], strides = [1]} : vector<4096xf32> to vector<64xf32>
    %broadcast_in_dim3A_106 = vector.shape_cast %slice3A_105 : vector<64xf32> to vector<1x64xf32>
    %slice3A_107 = vector.extract_strided_slice %add3A {offsets = [3264], sizes = [64], strides = [1]} : vector<4096xf32> to vector<64xf32>
    %broadcast_in_dim3A_108 = vector.shape_cast %slice3A_107 : vector<64xf32> to vector<1x64xf32>
    %slice3A_109 = vector.extract_strided_slice %add3A {offsets = [3328], sizes = [64], strides = [1]} : vector<4096xf32> to vector<64xf32>
    %broadcast_in_dim3A_110 = vector.shape_cast %slice3A_109 : vector<64xf32> to vector<1x64xf32>
    %slice3A_111 = vector.extract_strided_slice %add3A {offsets = [3392], sizes = [64], strides = [1]} : vector<4096xf32> to vector<64xf32>
    %broadcast_in_dim3A_112 = vector.shape_cast %slice3A_111 : vector<64xf32> to vector<1x64xf32>
    %slice3A_113 = vector.extract_strided_slice %add3A {offsets = [3456], sizes = [64], strides = [1]} : vector<4096xf32> to vector<64xf32>
    %broadcast_in_dim3A_114 = vector.shape_cast %slice3A_113 : vector<64xf32> to vector<1x64xf32>
    %slice3A_115 = vector.extract_strided_slice %add3A {offsets = [3520], sizes = [64], strides = [1]} : vector<4096xf32> to vector<64xf32>
    %broadcast_in_dim3A_116 = vector.shape_cast %slice3A_115 : vector<64xf32> to vector<1x64xf32>
    %slice3A_117 = vector.extract_strided_slice %add3A {offsets = [3584], sizes = [64], strides = [1]} : vector<4096xf32> to vector<64xf32>
    %broadcast_in_dim3A_118 = vector.shape_cast %slice3A_117 : vector<64xf32> to vector<1x64xf32>
    %slice3A_119 = vector.extract_strided_slice %add3A {offsets = [3648], sizes = [64], strides = [1]} : vector<4096xf32> to vector<64xf32>
    %broadcast_in_dim3A_120 = vector.shape_cast %slice3A_119 : vector<64xf32> to vector<1x64xf32>
    %slice3A_121 = vector.extract_strided_slice %add3A {offsets = [3712], sizes = [64], strides = [1]} : vector<4096xf32> to vector<64xf32>
    %broadcast_in_dim3A_122 = vector.shape_cast %slice3A_121 : vector<64xf32> to vector<1x64xf32>
    %slice3A_123 = vector.extract_strided_slice %add3A {offsets = [3776], sizes = [64], strides = [1]} : vector<4096xf32> to vector<64xf32>
    %broadcast_in_dim3A_124 = vector.shape_cast %slice3A_123 : vector<64xf32> to vector<1x64xf32>
    %slice3A_125 = vector.extract_strided_slice %add3A {offsets = [3840], sizes = [64], strides = [1]} : vector<4096xf32> to vector<64xf32>
    %broadcast_in_dim3A_126 = vector.shape_cast %slice3A_125 : vector<64xf32> to vector<1x64xf32>
    %slice3A_127 = vector.extract_strided_slice %add3A {offsets = [3904], sizes = [64], strides = [1]} : vector<4096xf32> to vector<64xf32>
    %broadcast_in_dim3A_128 = vector.shape_cast %slice3A_127 : vector<64xf32> to vector<1x64xf32>
    %slice3A_129 = vector.extract_strided_slice %add3A {offsets = [3968], sizes = [64], strides = [1]} : vector<4096xf32> to vector<64xf32>
    %broadcast_in_dim3A_130 = vector.shape_cast %slice3A_129 : vector<64xf32> to vector<1x64xf32>
    %slice3A_131 = vector.extract_strided_slice %add3A {offsets = [4032], sizes = [64], strides = [1]} : vector<4096xf32> to vector<64xf32>
    %broadcast_in_dim3A_132 = vector.shape_cast %slice3A_131 : vector<64xf32> to vector<1x64xf32>
    %concatenate3A = tpu.concatenate %broadcast_in_dim3A, %broadcast_in_dim3A_8, %broadcast_in_dim3A_10, %broadcast_in_dim3A_12, %broadcast_in_dim3A_14, %broadcast_in_dim3A_16, %broadcast_in_dim3A_18, %broadcast_in_dim3A_20, %broadcast_in_dim3A_22, %broadcast_in_dim3A_24, %broadcast_in_dim3A_26, %broadcast_in_dim3A_28, %broadcast_in_dim3A_30, %broadcast_in_dim3A_32, %broadcast_in_dim3A_34, %broadcast_in_dim3A_36, %broadcast_in_dim3A_38, %broadcast_in_dim3A_40, %broadcast_in_dim3A_42, %broadcast_in_dim3A_44, %broadcast_in_dim3A_46, %broadcast_in_dim3A_48, %broadcast_in_dim3A_50, %broadcast_in_dim3A_52, %broadcast_in_dim3A_54, %broadcast_in_dim3A_56, %broadcast_in_dim3A_58, %broadcast_in_dim3A_60, %broadcast_in_dim3A_62, %broadcast_in_dim3A_64, %broadcast_in_dim3A_66, %broadcast_in_dim3A_68, %broadcast_in_dim3A_70, %broadcast_in_dim3A_72, %broadcast_in_dim3A_74, %broadcast_in_dim3A_76, %broadcast_in_dim3A_78, %broadcast_in_dim3A_80, %broadcast_in_dim3A_82, %broadcast_in_dim3A_84, %broadcast_in_dim3A_86, %broadcast_in_dim3A_88, %broadcast_in_dim3A_90, %broadcast_in_dim3A_92, %broadcast_in_dim3A_94, %broadcast_in_dim3A_96, %broadcast_in_dim3A_98, %broadcast_in_dim3A_100, %broadcast_in_dim3A_102, %broadcast_in_dim3A_104, %broadcast_in_dim3A_106, %broadcast_in_dim3A_108, %broadcast_in_dim3A_110, %broadcast_in_dim3A_112, %broadcast_in_dim3A_114, %broadcast_in_dim3A_116, %broadcast_in_dim3A_118, %broadcast_in_dim3A_120, %broadcast_in_dim3A_122, %broadcast_in_dim3A_124, %broadcast_in_dim3A_126, %broadcast_in_dim3A_128, %broadcast_in_dim3A_130, %broadcast_in_dim3A_132 in 0 : vector<1x64xf32>, vector<1x64xf32>, vector<1x64xf32>, vector<1x64xf32>, vector<1x64xf32>, vector<1x64xf32>, vector<1x64xf32>, vector<1x64xf32>, vector<1x64xf32>, vector<1x64xf32>, vector<1x64xf32>, vector<1x64xf32>, vector<1x64xf32>, vector<1x64xf32>, vector<1x64xf32>, vector<1x64xf32>, vector<1x64xf32>, vector<1x64xf32>, vector<1x64xf32>, vector<1x64xf32>, vector<1x64xf32>, vector<1x64xf32>, vector<1x64xf32>, vector<1x64xf32>, vector<1x64xf32>, vector<1x64xf32>, vector<1x64xf32>, vector<1x64xf32>, vector<1x64xf32>, vector<1x64xf32>, vector<1x64xf32>, vector<1x64xf32>, vector<1x64xf32>, vector<1x64xf32>, vector<1x64xf32>, vector<1x64xf32>, vector<1x64xf32>, vector<1x64xf32>, vector<1x64xf32>, vector<1x64xf32>, vector<1x64xf32>, vector<1x64xf32>, vector<1x64xf32>, vector<1x64xf32>, vector<1x64xf32>, vector<1x64xf32>, vector<1x64xf32>, vector<1x64xf32>, vector<1x64xf32>, vector<1x64xf32>, vector<1x64xf32>, vector<1x64xf32>, vector<1x64xf32>, vector<1x64xf32>, vector<1x64xf32>, vector<1x64xf32>, vector<1x64xf32>, vector<1x64xf32>, vector<1x64xf32>, vector<1x64xf32>, vector<1x64xf32>, vector<1x64xf32>, vector<1x64xf32>, vector<1x64xf32> -> vector<64x64xf32>
    %get3A_133 = arith.constant 0 : index
    %get3A_134 = arith.constant 0 : index
    %get3A_135 = vector.load %arg2[%get3A_133, %get3A_134] : memref<64x4096xf32, #tpu.memory_space<vmem>>, vector<64x4096xf32>
    %dot_general3A = arith.constant dense<0.000000e+00> : vector<64x4096xf32>
    %dot_general3A_136 = tpu.matmul %concatenate3A, %get3A_135, %dot_general3A {dimension_numbers = #tpu.dot_dimension_numbers<[1], [0], [0], [1], [0, 0, 1, 1], [], []>, transpose_lhs_hint = false} : vector<64x64xf32>, vector<64x4096xf32>, vector<64x4096xf32> -> vector<64x4096xf32>
    %get3A_137 = arith.constant 0 : index
    %get3A_138 = arith.constant 0 : index
    %get3A_139 = vector.load %arg1[%get3A_137, %get3A_138] : memref<64x4096xf32, #tpu.memory_space<vmem>>, vector<64x4096xf32>
    %add3A_140 = arith.addf %get3A_139, %dot_general3A_136 : vector<64x4096xf32>
    %max3A = arith.constant 0.000000e+00 : f32
    %max3A_141 = vector.broadcast %max3A : f32 to vector<64x4096xf32>
    %max3A_142 = arith.maximumf %add3A_140, %max3A_141 : vector<64x4096xf32>
    %get3A_143 = arith.constant 0 : index
    %get3A_144 = arith.constant 0 : index
    %get3A_145 = vector.load %arg3[%get3A_143, %get3A_144] : memref<128x128xf32, #tpu.memory_space<vmem>>, vector<128x128xf32>
    %get3A_146 = arith.constant 0 : index
    %get3A_147 = vector.load %arg4[%get3A_146] : memref<128xf32, #tpu.memory_space<vmem>>, vector<128xf32>
    %slice3A_148 = vector.extract_strided_slice %max3A_142 {offsets = [0, 0], sizes = [64, 128], strides = [1, 1]} : vector<64x4096xf32> to vector<64x128xf32>
    %dot_general3A_149 = arith.constant dense<0.000000e+00> : vector<64x128xf32>
    %dot_general3A_150 = tpu.matmul %slice3A_148, %get3A_145, %dot_general3A_149 {dimension_numbers = #tpu.dot_dimension_numbers<[1], [0], [0], [1], [0, 0, 1, 1], [], []>, transpose_lhs_hint = false} : vector<64x128xf32>, vector<128x128xf32>, vector<64x128xf32> -> vector<64x128xf32>
    %broadcast_in_dim3A_151 = vector.shape_cast %get3A_147 : vector<128xf32> to vector<1x128xf32>
    %add3A_152 = vector.broadcast %broadcast_in_dim3A_151 : vector<1x128xf32> to vector<64x128xf32>
    %add3A_153 = arith.addf %dot_general3A_150, %add3A_152 : vector<64x128xf32>
    %max3A_154 = arith.constant 0.000000e+00 : f32
    %max3A_155 = vector.broadcast %max3A_154 : f32 to vector<64x128xf32>
    %max3A_156 = arith.maximumf %add3A_153, %max3A_155 : vector<64x128xf32>
    %slice3A_157 = vector.extract_strided_slice %max3A_142 {offsets = [0, 128], sizes = [64, 128], strides = [1, 1]} : vector<64x4096xf32> to vector<64x128xf32>
    %dot_general3A_158 = arith.constant dense<0.000000e+00> : vector<64x128xf32>
    %dot_general3A_159 = tpu.matmul %slice3A_157, %get3A_145, %dot_general3A_158 {dimension_numbers = #tpu.dot_dimension_numbers<[1], [0], [0], [1], [0, 0, 1, 1], [], []>, transpose_lhs_hint = false} : vector<64x128xf32>, vector<128x128xf32>, vector<64x128xf32> -> vector<64x128xf32>
    %broadcast_in_dim3A_160 = vector.shape_cast %get3A_147 : vector<128xf32> to vector<1x128xf32>
    %add3A_161 = vector.broadcast %broadcast_in_dim3A_160 : vector<1x128xf32> to vector<64x128xf32>
    %add3A_162 = arith.addf %dot_general3A_159, %add3A_161 : vector<64x128xf32>
    %max3A_163 = arith.constant 0.000000e+00 : f32
    %max3A_164 = vector.broadcast %max3A_163 : f32 to vector<64x128xf32>
    %max3A_165 = arith.maximumf %add3A_162, %max3A_164 : vector<64x128xf32>
    %slice3A_166 = vector.extract_strided_slice %max3A_142 {offsets = [0, 256], sizes = [64, 128], strides = [1, 1]} : vector<64x4096xf32> to vector<64x128xf32>
    %dot_general3A_167 = arith.constant dense<0.000000e+00> : vector<64x128xf32>
    %dot_general3A_168 = tpu.matmul %slice3A_166, %get3A_145, %dot_general3A_167 {dimension_numbers = #tpu.dot_dimension_numbers<[1], [0], [0], [1], [0, 0, 1, 1], [], []>, transpose_lhs_hint = false} : vector<64x128xf32>, vector<128x128xf32>, vector<64x128xf32> -> vector<64x128xf32>
    %broadcast_in_dim3A_169 = vector.shape_cast %get3A_147 : vector<128xf32> to vector<1x128xf32>
    %add3A_170 = vector.broadcast %broadcast_in_dim3A_169 : vector<1x128xf32> to vector<64x128xf32>
    %add3A_171 = arith.addf %dot_general3A_168, %add3A_170 : vector<64x128xf32>
    %max3A_172 = arith.constant 0.000000e+00 : f32
    %max3A_173 = vector.broadcast %max3A_172 : f32 to vector<64x128xf32>
    %max3A_174 = arith.maximumf %add3A_171, %max3A_173 : vector<64x128xf32>
    %slice3A_175 = vector.extract_strided_slice %max3A_142 {offsets = [0, 384], sizes = [64, 128], strides = [1, 1]} : vector<64x4096xf32> to vector<64x128xf32>
    %dot_general3A_176 = arith.constant dense<0.000000e+00> : vector<64x128xf32>
    %dot_general3A_177 = tpu.matmul %slice3A_175, %get3A_145, %dot_general3A_176 {dimension_numbers = #tpu.dot_dimension_numbers<[1], [0], [0], [1], [0, 0, 1, 1], [], []>, transpose_lhs_hint = false} : vector<64x128xf32>, vector<128x128xf32>, vector<64x128xf32> -> vector<64x128xf32>
    %broadcast_in_dim3A_178 = vector.shape_cast %get3A_147 : vector<128xf32> to vector<1x128xf32>
    %add3A_179 = vector.broadcast %broadcast_in_dim3A_178 : vector<1x128xf32> to vector<64x128xf32>
    %add3A_180 = arith.addf %dot_general3A_177, %add3A_179 : vector<64x128xf32>
    %max3A_181 = arith.constant 0.000000e+00 : f32
    %max3A_182 = vector.broadcast %max3A_181 : f32 to vector<64x128xf32>
    %max3A_183 = arith.maximumf %add3A_180, %max3A_182 : vector<64x128xf32>
    %slice3A_184 = vector.extract_strided_slice %max3A_142 {offsets = [0, 512], sizes = [64, 128], strides = [1, 1]} : vector<64x4096xf32> to vector<64x128xf32>
    %dot_general3A_185 = arith.constant dense<0.000000e+00> : vector<64x128xf32>
    %dot_general3A_186 = tpu.matmul %slice3A_184, %get3A_145, %dot_general3A_185 {dimension_numbers = #tpu.dot_dimension_numbers<[1], [0], [0], [1], [0, 0, 1, 1], [], []>, transpose_lhs_hint = false} : vector<64x128xf32>, vector<128x128xf32>, vector<64x128xf32> -> vector<64x128xf32>
    %broadcast_in_dim3A_187 = vector.shape_cast %get3A_147 : vector<128xf32> to vector<1x128xf32>
    %add3A_188 = vector.broadcast %broadcast_in_dim3A_187 : vector<1x128xf32> to vector<64x128xf32>
    %add3A_189 = arith.addf %dot_general3A_186, %add3A_188 : vector<64x128xf32>
    %max3A_190 = arith.constant 0.000000e+00 : f32
    %max3A_191 = vector.broadcast %max3A_190 : f32 to vector<64x128xf32>
    %max3A_192 = arith.maximumf %add3A_189, %max3A_191 : vector<64x128xf32>
    %slice3A_193 = vector.extract_strided_slice %max3A_142 {offsets = [0, 640], sizes = [64, 128], strides = [1, 1]} : vector<64x4096xf32> to vector<64x128xf32>
    %dot_general3A_194 = arith.constant dense<0.000000e+00> : vector<64x128xf32>
    %dot_general3A_195 = tpu.matmul %slice3A_193, %get3A_145, %dot_general3A_194 {dimension_numbers = #tpu.dot_dimension_numbers<[1], [0], [0], [1], [0, 0, 1, 1], [], []>, transpose_lhs_hint = false} : vector<64x128xf32>, vector<128x128xf32>, vector<64x128xf32> -> vector<64x128xf32>
    %broadcast_in_dim3A_196 = vector.shape_cast %get3A_147 : vector<128xf32> to vector<1x128xf32>
    %add3A_197 = vector.broadcast %broadcast_in_dim3A_196 : vector<1x128xf32> to vector<64x128xf32>
    %add3A_198 = arith.addf %dot_general3A_195, %add3A_197 : vector<64x128xf32>
    %max3A_199 = arith.constant 0.000000e+00 : f32
    %max3A_200 = vector.broadcast %max3A_199 : f32 to vector<64x128xf32>
    %max3A_201 = arith.maximumf %add3A_198, %max3A_200 : vector<64x128xf32>
    %slice3A_202 = vector.extract_strided_slice %max3A_142 {offsets = [0, 768], sizes = [64, 128], strides = [1, 1]} : vector<64x4096xf32> to vector<64x128xf32>
    %dot_general3A_203 = arith.constant dense<0.000000e+00> : vector<64x128xf32>
    %dot_general3A_204 = tpu.matmul %slice3A_202, %get3A_145, %dot_general3A_203 {dimension_numbers = #tpu.dot_dimension_numbers<[1], [0], [0], [1], [0, 0, 1, 1], [], []>, transpose_lhs_hint = false} : vector<64x128xf32>, vector<128x128xf32>, vector<64x128xf32> -> vector<64x128xf32>
    %broadcast_in_dim3A_205 = vector.shape_cast %get3A_147 : vector<128xf32> to vector<1x128xf32>
    %add3A_206 = vector.broadcast %broadcast_in_dim3A_205 : vector<1x128xf32> to vector<64x128xf32>
    %add3A_207 = arith.addf %dot_general3A_204, %add3A_206 : vector<64x128xf32>
    %max3A_208 = arith.constant 0.000000e+00 : f32
    %max3A_209 = vector.broadcast %max3A_208 : f32 to vector<64x128xf32>
    %max3A_210 = arith.maximumf %add3A_207, %max3A_209 : vector<64x128xf32>
    %slice3A_211 = vector.extract_strided_slice %max3A_142 {offsets = [0, 896], sizes = [64, 128], strides = [1, 1]} : vector<64x4096xf32> to vector<64x128xf32>
    %dot_general3A_212 = arith.constant dense<0.000000e+00> : vector<64x128xf32>
    %dot_general3A_213 = tpu.matmul %slice3A_211, %get3A_145, %dot_general3A_212 {dimension_numbers = #tpu.dot_dimension_numbers<[1], [0], [0], [1], [0, 0, 1, 1], [], []>, transpose_lhs_hint = false} : vector<64x128xf32>, vector<128x128xf32>, vector<64x128xf32> -> vector<64x128xf32>
    %broadcast_in_dim3A_214 = vector.shape_cast %get3A_147 : vector<128xf32> to vector<1x128xf32>
    %add3A_215 = vector.broadcast %broadcast_in_dim3A_214 : vector<1x128xf32> to vector<64x128xf32>
    %add3A_216 = arith.addf %dot_general3A_213, %add3A_215 : vector<64x128xf32>
    %max3A_217 = arith.constant 0.000000e+00 : f32
    %max3A_218 = vector.broadcast %max3A_217 : f32 to vector<64x128xf32>
    %max3A_219 = arith.maximumf %add3A_216, %max3A_218 : vector<64x128xf32>
    %slice3A_220 = vector.extract_strided_slice %max3A_142 {offsets = [0, 1024], sizes = [64, 128], strides = [1, 1]} : vector<64x4096xf32> to vector<64x128xf32>
    %dot_general3A_221 = arith.constant dense<0.000000e+00> : vector<64x128xf32>
    %dot_general3A_222 = tpu.matmul %slice3A_220, %get3A_145, %dot_general3A_221 {dimension_numbers = #tpu.dot_dimension_numbers<[1], [0], [0], [1], [0, 0, 1, 1], [], []>, transpose_lhs_hint = false} : vector<64x128xf32>, vector<128x128xf32>, vector<64x128xf32> -> vector<64x128xf32>
    %broadcast_in_dim3A_223 = vector.shape_cast %get3A_147 : vector<128xf32> to vector<1x128xf32>
    %add3A_224 = vector.broadcast %broadcast_in_dim3A_223 : vector<1x128xf32> to vector<64x128xf32>
    %add3A_225 = arith.addf %dot_general3A_222, %add3A_224 : vector<64x128xf32>
    %max3A_226 = arith.constant 0.000000e+00 : f32
    %max3A_227 = vector.broadcast %max3A_226 : f32 to vector<64x128xf32>
    %max3A_228 = arith.maximumf %add3A_225, %max3A_227 : vector<64x128xf32>
    %slice3A_229 = vector.extract_strided_slice %max3A_142 {offsets = [0, 1152], sizes = [64, 128], strides = [1, 1]} : vector<64x4096xf32> to vector<64x128xf32>
    %dot_general3A_230 = arith.constant dense<0.000000e+00> : vector<64x128xf32>
    %dot_general3A_231 = tpu.matmul %slice3A_229, %get3A_145, %dot_general3A_230 {dimension_numbers = #tpu.dot_dimension_numbers<[1], [0], [0], [1], [0, 0, 1, 1], [], []>, transpose_lhs_hint = false} : vector<64x128xf32>, vector<128x128xf32>, vector<64x128xf32> -> vector<64x128xf32>
    %broadcast_in_dim3A_232 = vector.shape_cast %get3A_147 : vector<128xf32> to vector<1x128xf32>
    %add3A_233 = vector.broadcast %broadcast_in_dim3A_232 : vector<1x128xf32> to vector<64x128xf32>
    %add3A_234 = arith.addf %dot_general3A_231, %add3A_233 : vector<64x128xf32>
    %max3A_235 = arith.constant 0.000000e+00 : f32
    %max3A_236 = vector.broadcast %max3A_235 : f32 to vector<64x128xf32>
    %max3A_237 = arith.maximumf %add3A_234, %max3A_236 : vector<64x128xf32>
    %slice3A_238 = vector.extract_strided_slice %max3A_142 {offsets = [0, 1280], sizes = [64, 128], strides = [1, 1]} : vector<64x4096xf32> to vector<64x128xf32>
    %dot_general3A_239 = arith.constant dense<0.000000e+00> : vector<64x128xf32>
    %dot_general3A_240 = tpu.matmul %slice3A_238, %get3A_145, %dot_general3A_239 {dimension_numbers = #tpu.dot_dimension_numbers<[1], [0], [0], [1], [0, 0, 1, 1], [], []>, transpose_lhs_hint = false} : vector<64x128xf32>, vector<128x128xf32>, vector<64x128xf32> -> vector<64x128xf32>
    %broadcast_in_dim3A_241 = vector.shape_cast %get3A_147 : vector<128xf32> to vector<1x128xf32>
    %add3A_242 = vector.broadcast %broadcast_in_dim3A_241 : vector<1x128xf32> to vector<64x128xf32>
    %add3A_243 = arith.addf %dot_general3A_240, %add3A_242 : vector<64x128xf32>
    %max3A_244 = arith.constant 0.000000e+00 : f32
    %max3A_245 = vector.broadcast %max3A_244 : f32 to vector<64x128xf32>
    %max3A_246 = arith.maximumf %add3A_243, %max3A_245 : vector<64x128xf32>
    %slice3A_247 = vector.extract_strided_slice %max3A_142 {offsets = [0, 1408], sizes = [64, 128], strides = [1, 1]} : vector<64x4096xf32> to vector<64x128xf32>
    %dot_general3A_248 = arith.constant dense<0.000000e+00> : vector<64x128xf32>
    %dot_general3A_249 = tpu.matmul %slice3A_247, %get3A_145, %dot_general3A_248 {dimension_numbers = #tpu.dot_dimension_numbers<[1], [0], [0], [1], [0, 0, 1, 1], [], []>, transpose_lhs_hint = false} : vector<64x128xf32>, vector<128x128xf32>, vector<64x128xf32> -> vector<64x128xf32>
    %broadcast_in_dim3A_250 = vector.shape_cast %get3A_147 : vector<128xf32> to vector<1x128xf32>
    %add3A_251 = vector.broadcast %broadcast_in_dim3A_250 : vector<1x128xf32> to vector<64x128xf32>
    %add3A_252 = arith.addf %dot_general3A_249, %add3A_251 : vector<64x128xf32>
    %max3A_253 = arith.constant 0.000000e+00 : f32
    %max3A_254 = vector.broadcast %max3A_253 : f32 to vector<64x128xf32>
    %max3A_255 = arith.maximumf %add3A_252, %max3A_254 : vector<64x128xf32>
    %slice3A_256 = vector.extract_strided_slice %max3A_142 {offsets = [0, 1536], sizes = [64, 128], strides = [1, 1]} : vector<64x4096xf32> to vector<64x128xf32>
    %dot_general3A_257 = arith.constant dense<0.000000e+00> : vector<64x128xf32>
    %dot_general3A_258 = tpu.matmul %slice3A_256, %get3A_145, %dot_general3A_257 {dimension_numbers = #tpu.dot_dimension_numbers<[1], [0], [0], [1], [0, 0, 1, 1], [], []>, transpose_lhs_hint = false} : vector<64x128xf32>, vector<128x128xf32>, vector<64x128xf32> -> vector<64x128xf32>
    %broadcast_in_dim3A_259 = vector.shape_cast %get3A_147 : vector<128xf32> to vector<1x128xf32>
    %add3A_260 = vector.broadcast %broadcast_in_dim3A_259 : vector<1x128xf32> to vector<64x128xf32>
    %add3A_261 = arith.addf %dot_general3A_258, %add3A_260 : vector<64x128xf32>
    %max3A_262 = arith.constant 0.000000e+00 : f32
    %max3A_263 = vector.broadcast %max3A_262 : f32 to vector<64x128xf32>
    %max3A_264 = arith.maximumf %add3A_261, %max3A_263 : vector<64x128xf32>
    %slice3A_265 = vector.extract_strided_slice %max3A_142 {offsets = [0, 1664], sizes = [64, 128], strides = [1, 1]} : vector<64x4096xf32> to vector<64x128xf32>
    %dot_general3A_266 = arith.constant dense<0.000000e+00> : vector<64x128xf32>
    %dot_general3A_267 = tpu.matmul %slice3A_265, %get3A_145, %dot_general3A_266 {dimension_numbers = #tpu.dot_dimension_numbers<[1], [0], [0], [1], [0, 0, 1, 1], [], []>, transpose_lhs_hint = false} : vector<64x128xf32>, vector<128x128xf32>, vector<64x128xf32> -> vector<64x128xf32>
    %broadcast_in_dim3A_268 = vector.shape_cast %get3A_147 : vector<128xf32> to vector<1x128xf32>
    %add3A_269 = vector.broadcast %broadcast_in_dim3A_268 : vector<1x128xf32> to vector<64x128xf32>
    %add3A_270 = arith.addf %dot_general3A_267, %add3A_269 : vector<64x128xf32>
    %max3A_271 = arith.constant 0.000000e+00 : f32
    %max3A_272 = vector.broadcast %max3A_271 : f32 to vector<64x128xf32>
    %max3A_273 = arith.maximumf %add3A_270, %max3A_272 : vector<64x128xf32>
    %slice3A_274 = vector.extract_strided_slice %max3A_142 {offsets = [0, 1792], sizes = [64, 128], strides = [1, 1]} : vector<64x4096xf32> to vector<64x128xf32>
    %dot_general3A_275 = arith.constant dense<0.000000e+00> : vector<64x128xf32>
    %dot_general3A_276 = tpu.matmul %slice3A_274, %get3A_145, %dot_general3A_275 {dimension_numbers = #tpu.dot_dimension_numbers<[1], [0], [0], [1], [0, 0, 1, 1], [], []>, transpose_lhs_hint = false} : vector<64x128xf32>, vector<128x128xf32>, vector<64x128xf32> -> vector<64x128xf32>
    %broadcast_in_dim3A_277 = vector.shape_cast %get3A_147 : vector<128xf32> to vector<1x128xf32>
    %add3A_278 = vector.broadcast %broadcast_in_dim3A_277 : vector<1x128xf32> to vector<64x128xf32>
    %add3A_279 = arith.addf %dot_general3A_276, %add3A_278 : vector<64x128xf32>
    %max3A_280 = arith.constant 0.000000e+00 : f32
    %max3A_281 = vector.broadcast %max3A_280 : f32 to vector<64x128xf32>
    %max3A_282 = arith.maximumf %add3A_279, %max3A_281 : vector<64x128xf32>
    %slice3A_283 = vector.extract_strided_slice %max3A_142 {offsets = [0, 1920], sizes = [64, 128], strides = [1, 1]} : vector<64x4096xf32> to vector<64x128xf32>
    %dot_general3A_284 = arith.constant dense<0.000000e+00> : vector<64x128xf32>
    %dot_general3A_285 = tpu.matmul %slice3A_283, %get3A_145, %dot_general3A_284 {dimension_numbers = #tpu.dot_dimension_numbers<[1], [0], [0], [1], [0, 0, 1, 1], [], []>, transpose_lhs_hint = false} : vector<64x128xf32>, vector<128x128xf32>, vector<64x128xf32> -> vector<64x128xf32>
    %broadcast_in_dim3A_286 = vector.shape_cast %get3A_147 : vector<128xf32> to vector<1x128xf32>
    %add3A_287 = vector.broadcast %broadcast_in_dim3A_286 : vector<1x128xf32> to vector<64x128xf32>
    %add3A_288 = arith.addf %dot_general3A_285, %add3A_287 : vector<64x128xf32>
    %max3A_289 = arith.constant 0.000000e+00 : f32
    %max3A_290 = vector.broadcast %max3A_289 : f32 to vector<64x128xf32>
    %max3A_291 = arith.maximumf %add3A_288, %max3A_290 : vector<64x128xf32>
    %slice3A_292 = vector.extract_strided_slice %max3A_142 {offsets = [0, 2048], sizes = [64, 128], strides = [1, 1]} : vector<64x4096xf32> to vector<64x128xf32>
    %dot_general3A_293 = arith.constant dense<0.000000e+00> : vector<64x128xf32>
    %dot_general3A_294 = tpu.matmul %slice3A_292, %get3A_145, %dot_general3A_293 {dimension_numbers = #tpu.dot_dimension_numbers<[1], [0], [0], [1], [0, 0, 1, 1], [], []>, transpose_lhs_hint = false} : vector<64x128xf32>, vector<128x128xf32>, vector<64x128xf32> -> vector<64x128xf32>
    %broadcast_in_dim3A_295 = vector.shape_cast %get3A_147 : vector<128xf32> to vector<1x128xf32>
    %add3A_296 = vector.broadcast %broadcast_in_dim3A_295 : vector<1x128xf32> to vector<64x128xf32>
    %add3A_297 = arith.addf %dot_general3A_294, %add3A_296 : vector<64x128xf32>
    %max3A_298 = arith.constant 0.000000e+00 : f32
    %max3A_299 = vector.broadcast %max3A_298 : f32 to vector<64x128xf32>
    %max3A_300 = arith.maximumf %add3A_297, %max3A_299 : vector<64x128xf32>
    %slice3A_301 = vector.extract_strided_slice %max3A_142 {offsets = [0, 2176], sizes = [64, 128], strides = [1, 1]} : vector<64x4096xf32> to vector<64x128xf32>
    %dot_general3A_302 = arith.constant dense<0.000000e+00> : vector<64x128xf32>
    %dot_general3A_303 = tpu.matmul %slice3A_301, %get3A_145, %dot_general3A_302 {dimension_numbers = #tpu.dot_dimension_numbers<[1], [0], [0], [1], [0, 0, 1, 1], [], []>, transpose_lhs_hint = false} : vector<64x128xf32>, vector<128x128xf32>, vector<64x128xf32> -> vector<64x128xf32>
    %broadcast_in_dim3A_304 = vector.shape_cast %get3A_147 : vector<128xf32> to vector<1x128xf32>
    %add3A_305 = vector.broadcast %broadcast_in_dim3A_304 : vector<1x128xf32> to vector<64x128xf32>
    %add3A_306 = arith.addf %dot_general3A_303, %add3A_305 : vector<64x128xf32>
    %max3A_307 = arith.constant 0.000000e+00 : f32
    %max3A_308 = vector.broadcast %max3A_307 : f32 to vector<64x128xf32>
    %max3A_309 = arith.maximumf %add3A_306, %max3A_308 : vector<64x128xf32>
    %slice3A_310 = vector.extract_strided_slice %max3A_142 {offsets = [0, 2304], sizes = [64, 128], strides = [1, 1]} : vector<64x4096xf32> to vector<64x128xf32>
    %dot_general3A_311 = arith.constant dense<0.000000e+00> : vector<64x128xf32>
    %dot_general3A_312 = tpu.matmul %slice3A_310, %get3A_145, %dot_general3A_311 {dimension_numbers = #tpu.dot_dimension_numbers<[1], [0], [0], [1], [0, 0, 1, 1], [], []>, transpose_lhs_hint = false} : vector<64x128xf32>, vector<128x128xf32>, vector<64x128xf32> -> vector<64x128xf32>
    %broadcast_in_dim3A_313 = vector.shape_cast %get3A_147 : vector<128xf32> to vector<1x128xf32>
    %add3A_314 = vector.broadcast %broadcast_in_dim3A_313 : vector<1x128xf32> to vector<64x128xf32>
    %add3A_315 = arith.addf %dot_general3A_312, %add3A_314 : vector<64x128xf32>
    %max3A_316 = arith.constant 0.000000e+00 : f32
    %max3A_317 = vector.broadcast %max3A_316 : f32 to vector<64x128xf32>
    %max3A_318 = arith.maximumf %add3A_315, %max3A_317 : vector<64x128xf32>
    %slice3A_319 = vector.extract_strided_slice %max3A_142 {offsets = [0, 2432], sizes = [64, 128], strides = [1, 1]} : vector<64x4096xf32> to vector<64x128xf32>
    %dot_general3A_320 = arith.constant dense<0.000000e+00> : vector<64x128xf32>
    %dot_general3A_321 = tpu.matmul %slice3A_319, %get3A_145, %dot_general3A_320 {dimension_numbers = #tpu.dot_dimension_numbers<[1], [0], [0], [1], [0, 0, 1, 1], [], []>, transpose_lhs_hint = false} : vector<64x128xf32>, vector<128x128xf32>, vector<64x128xf32> -> vector<64x128xf32>
    %broadcast_in_dim3A_322 = vector.shape_cast %get3A_147 : vector<128xf32> to vector<1x128xf32>
    %add3A_323 = vector.broadcast %broadcast_in_dim3A_322 : vector<1x128xf32> to vector<64x128xf32>
    %add3A_324 = arith.addf %dot_general3A_321, %add3A_323 : vector<64x128xf32>
    %max3A_325 = arith.constant 0.000000e+00 : f32
    %max3A_326 = vector.broadcast %max3A_325 : f32 to vector<64x128xf32>
    %max3A_327 = arith.maximumf %add3A_324, %max3A_326 : vector<64x128xf32>
    %slice3A_328 = vector.extract_strided_slice %max3A_142 {offsets = [0, 2560], sizes = [64, 128], strides = [1, 1]} : vector<64x4096xf32> to vector<64x128xf32>
    %dot_general3A_329 = arith.constant dense<0.000000e+00> : vector<64x128xf32>
    %dot_general3A_330 = tpu.matmul %slice3A_328, %get3A_145, %dot_general3A_329 {dimension_numbers = #tpu.dot_dimension_numbers<[1], [0], [0], [1], [0, 0, 1, 1], [], []>, transpose_lhs_hint = false} : vector<64x128xf32>, vector<128x128xf32>, vector<64x128xf32> -> vector<64x128xf32>
    %broadcast_in_dim3A_331 = vector.shape_cast %get3A_147 : vector<128xf32> to vector<1x128xf32>
    %add3A_332 = vector.broadcast %broadcast_in_dim3A_331 : vector<1x128xf32> to vector<64x128xf32>
    %add3A_333 = arith.addf %dot_general3A_330, %add3A_332 : vector<64x128xf32>
    %max3A_334 = arith.constant 0.000000e+00 : f32
    %max3A_335 = vector.broadcast %max3A_334 : f32 to vector<64x128xf32>
    %max3A_336 = arith.maximumf %add3A_333, %max3A_335 : vector<64x128xf32>
    %slice3A_337 = vector.extract_strided_slice %max3A_142 {offsets = [0, 2688], sizes = [64, 128], strides = [1, 1]} : vector<64x4096xf32> to vector<64x128xf32>
    %dot_general3A_338 = arith.constant dense<0.000000e+00> : vector<64x128xf32>
    %dot_general3A_339 = tpu.matmul %slice3A_337, %get3A_145, %dot_general3A_338 {dimension_numbers = #tpu.dot_dimension_numbers<[1], [0], [0], [1], [0, 0, 1, 1], [], []>, transpose_lhs_hint = false} : vector<64x128xf32>, vector<128x128xf32>, vector<64x128xf32> -> vector<64x128xf32>
    %broadcast_in_dim3A_340 = vector.shape_cast %get3A_147 : vector<128xf32> to vector<1x128xf32>
    %add3A_341 = vector.broadcast %broadcast_in_dim3A_340 : vector<1x128xf32> to vector<64x128xf32>
    %add3A_342 = arith.addf %dot_general3A_339, %add3A_341 : vector<64x128xf32>
    %max3A_343 = arith.constant 0.000000e+00 : f32
    %max3A_344 = vector.broadcast %max3A_343 : f32 to vector<64x128xf32>
    %max3A_345 = arith.maximumf %add3A_342, %max3A_344 : vector<64x128xf32>
    %slice3A_346 = vector.extract_strided_slice %max3A_142 {offsets = [0, 2816], sizes = [64, 128], strides = [1, 1]} : vector<64x4096xf32> to vector<64x128xf32>
    %dot_general3A_347 = arith.constant dense<0.000000e+00> : vector<64x128xf32>
    %dot_general3A_348 = tpu.matmul %slice3A_346, %get3A_145, %dot_general3A_347 {dimension_numbers = #tpu.dot_dimension_numbers<[1], [0], [0], [1], [0, 0, 1, 1], [], []>, transpose_lhs_hint = false} : vector<64x128xf32>, vector<128x128xf32>, vector<64x128xf32> -> vector<64x128xf32>
    %broadcast_in_dim3A_349 = vector.shape_cast %get3A_147 : vector<128xf32> to vector<1x128xf32>
    %add3A_350 = vector.broadcast %broadcast_in_dim3A_349 : vector<1x128xf32> to vector<64x128xf32>
    %add3A_351 = arith.addf %dot_general3A_348, %add3A_350 : vector<64x128xf32>
    %max3A_352 = arith.constant 0.000000e+00 : f32
    %max3A_353 = vector.broadcast %max3A_352 : f32 to vector<64x128xf32>
    %max3A_354 = arith.maximumf %add3A_351, %max3A_353 : vector<64x128xf32>
    %slice3A_355 = vector.extract_strided_slice %max3A_142 {offsets = [0, 2944], sizes = [64, 128], strides = [1, 1]} : vector<64x4096xf32> to vector<64x128xf32>
    %dot_general3A_356 = arith.constant dense<0.000000e+00> : vector<64x128xf32>
    %dot_general3A_357 = tpu.matmul %slice3A_355, %get3A_145, %dot_general3A_356 {dimension_numbers = #tpu.dot_dimension_numbers<[1], [0], [0], [1], [0, 0, 1, 1], [], []>, transpose_lhs_hint = false} : vector<64x128xf32>, vector<128x128xf32>, vector<64x128xf32> -> vector<64x128xf32>
    %broadcast_in_dim3A_358 = vector.shape_cast %get3A_147 : vector<128xf32> to vector<1x128xf32>
    %add3A_359 = vector.broadcast %broadcast_in_dim3A_358 : vector<1x128xf32> to vector<64x128xf32>
    %add3A_360 = arith.addf %dot_general3A_357, %add3A_359 : vector<64x128xf32>
    %max3A_361 = arith.constant 0.000000e+00 : f32
    %max3A_362 = vector.broadcast %max3A_361 : f32 to vector<64x128xf32>
    %max3A_363 = arith.maximumf %add3A_360, %max3A_362 : vector<64x128xf32>
    %slice3A_364 = vector.extract_strided_slice %max3A_142 {offsets = [0, 3072], sizes = [64, 128], strides = [1, 1]} : vector<64x4096xf32> to vector<64x128xf32>
    %dot_general3A_365 = arith.constant dense<0.000000e+00> : vector<64x128xf32>
    %dot_general3A_366 = tpu.matmul %slice3A_364, %get3A_145, %dot_general3A_365 {dimension_numbers = #tpu.dot_dimension_numbers<[1], [0], [0], [1], [0, 0, 1, 1], [], []>, transpose_lhs_hint = false} : vector<64x128xf32>, vector<128x128xf32>, vector<64x128xf32> -> vector<64x128xf32>
    %broadcast_in_dim3A_367 = vector.shape_cast %get3A_147 : vector<128xf32> to vector<1x128xf32>
    %add3A_368 = vector.broadcast %broadcast_in_dim3A_367 : vector<1x128xf32> to vector<64x128xf32>
    %add3A_369 = arith.addf %dot_general3A_366, %add3A_368 : vector<64x128xf32>
    %max3A_370 = arith.constant 0.000000e+00 : f32
    %max3A_371 = vector.broadcast %max3A_370 : f32 to vector<64x128xf32>
    %max3A_372 = arith.maximumf %add3A_369, %max3A_371 : vector<64x128xf32>
    %slice3A_373 = vector.extract_strided_slice %max3A_142 {offsets = [0, 3200], sizes = [64, 128], strides = [1, 1]} : vector<64x4096xf32> to vector<64x128xf32>
    %dot_general3A_374 = arith.constant dense<0.000000e+00> : vector<64x128xf32>
    %dot_general3A_375 = tpu.matmul %slice3A_373, %get3A_145, %dot_general3A_374 {dimension_numbers = #tpu.dot_dimension_numbers<[1], [0], [0], [1], [0, 0, 1, 1], [], []>, transpose_lhs_hint = false} : vector<64x128xf32>, vector<128x128xf32>, vector<64x128xf32> -> vector<64x128xf32>
    %broadcast_in_dim3A_376 = vector.shape_cast %get3A_147 : vector<128xf32> to vector<1x128xf32>
    %add3A_377 = vector.broadcast %broadcast_in_dim3A_376 : vector<1x128xf32> to vector<64x128xf32>
    %add3A_378 = arith.addf %dot_general3A_375, %add3A_377 : vector<64x128xf32>
    %max3A_379 = arith.constant 0.000000e+00 : f32
    %max3A_380 = vector.broadcast %max3A_379 : f32 to vector<64x128xf32>
    %max3A_381 = arith.maximumf %add3A_378, %max3A_380 : vector<64x128xf32>
    %slice3A_382 = vector.extract_strided_slice %max3A_142 {offsets = [0, 3328], sizes = [64, 128], strides = [1, 1]} : vector<64x4096xf32> to vector<64x128xf32>
    %dot_general3A_383 = arith.constant dense<0.000000e+00> : vector<64x128xf32>
    %dot_general3A_384 = tpu.matmul %slice3A_382, %get3A_145, %dot_general3A_383 {dimension_numbers = #tpu.dot_dimension_numbers<[1], [0], [0], [1], [0, 0, 1, 1], [], []>, transpose_lhs_hint = false} : vector<64x128xf32>, vector<128x128xf32>, vector<64x128xf32> -> vector<64x128xf32>
    %broadcast_in_dim3A_385 = vector.shape_cast %get3A_147 : vector<128xf32> to vector<1x128xf32>
    %add3A_386 = vector.broadcast %broadcast_in_dim3A_385 : vector<1x128xf32> to vector<64x128xf32>
    %add3A_387 = arith.addf %dot_general3A_384, %add3A_386 : vector<64x128xf32>
    %max3A_388 = arith.constant 0.000000e+00 : f32
    %max3A_389 = vector.broadcast %max3A_388 : f32 to vector<64x128xf32>
    %max3A_390 = arith.maximumf %add3A_387, %max3A_389 : vector<64x128xf32>
    %slice3A_391 = vector.extract_strided_slice %max3A_142 {offsets = [0, 3456], sizes = [64, 128], strides = [1, 1]} : vector<64x4096xf32> to vector<64x128xf32>
    %dot_general3A_392 = arith.constant dense<0.000000e+00> : vector<64x128xf32>
    %dot_general3A_393 = tpu.matmul %slice3A_391, %get3A_145, %dot_general3A_392 {dimension_numbers = #tpu.dot_dimension_numbers<[1], [0], [0], [1], [0, 0, 1, 1], [], []>, transpose_lhs_hint = false} : vector<64x128xf32>, vector<128x128xf32>, vector<64x128xf32> -> vector<64x128xf32>
    %broadcast_in_dim3A_394 = vector.shape_cast %get3A_147 : vector<128xf32> to vector<1x128xf32>
    %add3A_395 = vector.broadcast %broadcast_in_dim3A_394 : vector<1x128xf32> to vector<64x128xf32>
    %add3A_396 = arith.addf %dot_general3A_393, %add3A_395 : vector<64x128xf32>
    %max3A_397 = arith.constant 0.000000e+00 : f32
    %max3A_398 = vector.broadcast %max3A_397 : f32 to vector<64x128xf32>
    %max3A_399 = arith.maximumf %add3A_396, %max3A_398 : vector<64x128xf32>
    %slice3A_400 = vector.extract_strided_slice %max3A_142 {offsets = [0, 3584], sizes = [64, 128], strides = [1, 1]} : vector<64x4096xf32> to vector<64x128xf32>
    %dot_general3A_401 = arith.constant dense<0.000000e+00> : vector<64x128xf32>
    %dot_general3A_402 = tpu.matmul %slice3A_400, %get3A_145, %dot_general3A_401 {dimension_numbers = #tpu.dot_dimension_numbers<[1], [0], [0], [1], [0, 0, 1, 1], [], []>, transpose_lhs_hint = false} : vector<64x128xf32>, vector<128x128xf32>, vector<64x128xf32> -> vector<64x128xf32>
    %broadcast_in_dim3A_403 = vector.shape_cast %get3A_147 : vector<128xf32> to vector<1x128xf32>
    %add3A_404 = vector.broadcast %broadcast_in_dim3A_403 : vector<1x128xf32> to vector<64x128xf32>
    %add3A_405 = arith.addf %dot_general3A_402, %add3A_404 : vector<64x128xf32>
    %max3A_406 = arith.constant 0.000000e+00 : f32
    %max3A_407 = vector.broadcast %max3A_406 : f32 to vector<64x128xf32>
    %max3A_408 = arith.maximumf %add3A_405, %max3A_407 : vector<64x128xf32>
    %slice3A_409 = vector.extract_strided_slice %max3A_142 {offsets = [0, 3712], sizes = [64, 128], strides = [1, 1]} : vector<64x4096xf32> to vector<64x128xf32>
    %dot_general3A_410 = arith.constant dense<0.000000e+00> : vector<64x128xf32>
    %dot_general3A_411 = tpu.matmul %slice3A_409, %get3A_145, %dot_general3A_410 {dimension_numbers = #tpu.dot_dimension_numbers<[1], [0], [0], [1], [0, 0, 1, 1], [], []>, transpose_lhs_hint = false} : vector<64x128xf32>, vector<128x128xf32>, vector<64x128xf32> -> vector<64x128xf32>
    %broadcast_in_dim3A_412 = vector.shape_cast %get3A_147 : vector<128xf32> to vector<1x128xf32>
    %add3A_413 = vector.broadcast %broadcast_in_dim3A_412 : vector<1x128xf32> to vector<64x128xf32>
    %add3A_414 = arith.addf %dot_general3A_411, %add3A_413 : vector<64x128xf32>
    %max3A_415 = arith.constant 0.000000e+00 : f32
    %max3A_416 = vector.broadcast %max3A_415 : f32 to vector<64x128xf32>
    %max3A_417 = arith.maximumf %add3A_414, %max3A_416 : vector<64x128xf32>
    %slice3A_418 = vector.extract_strided_slice %max3A_142 {offsets = [0, 3840], sizes = [64, 128], strides = [1, 1]} : vector<64x4096xf32> to vector<64x128xf32>
    %dot_general3A_419 = arith.constant dense<0.000000e+00> : vector<64x128xf32>
    %dot_general3A_420 = tpu.matmul %slice3A_418, %get3A_145, %dot_general3A_419 {dimension_numbers = #tpu.dot_dimension_numbers<[1], [0], [0], [1], [0, 0, 1, 1], [], []>, transpose_lhs_hint = false} : vector<64x128xf32>, vector<128x128xf32>, vector<64x128xf32> -> vector<64x128xf32>
    %broadcast_in_dim3A_421 = vector.shape_cast %get3A_147 : vector<128xf32> to vector<1x128xf32>
    %add3A_422 = vector.broadcast %broadcast_in_dim3A_421 : vector<1x128xf32> to vector<64x128xf32>
    %add3A_423 = arith.addf %dot_general3A_420, %add3A_422 : vector<64x128xf32>
    %max3A_424 = arith.constant 0.000000e+00 : f32
    %max3A_425 = vector.broadcast %max3A_424 : f32 to vector<64x128xf32>
    %max3A_426 = arith.maximumf %add3A_423, %max3A_425 : vector<64x128xf32>
    %slice3A_427 = vector.extract_strided_slice %max3A_142 {offsets = [0, 3968], sizes = [64, 128], strides = [1, 1]} : vector<64x4096xf32> to vector<64x128xf32>
    %dot_general3A_428 = arith.constant dense<0.000000e+00> : vector<64x128xf32>
    %dot_general3A_429 = tpu.matmul %slice3A_427, %get3A_145, %dot_general3A_428 {dimension_numbers = #tpu.dot_dimension_numbers<[1], [0], [0], [1], [0, 0, 1, 1], [], []>, transpose_lhs_hint = false} : vector<64x128xf32>, vector<128x128xf32>, vector<64x128xf32> -> vector<64x128xf32>
    %broadcast_in_dim3A_430 = vector.shape_cast %get3A_147 : vector<128xf32> to vector<1x128xf32>
    %add3A_431 = vector.broadcast %broadcast_in_dim3A_430 : vector<1x128xf32> to vector<64x128xf32>
    %add3A_432 = arith.addf %dot_general3A_429, %add3A_431 : vector<64x128xf32>
    %max3A_433 = arith.constant 0.000000e+00 : f32
    %max3A_434 = vector.broadcast %max3A_433 : f32 to vector<64x128xf32>
    %max3A_435 = arith.maximumf %add3A_432, %max3A_434 : vector<64x128xf32>
    %concatenate3A_436 = tpu.concatenate %max3A_156, %max3A_165, %max3A_174, %max3A_183, %max3A_192, %max3A_201, %max3A_210, %max3A_219, %max3A_228, %max3A_237, %max3A_246, %max3A_255, %max3A_264, %max3A_273, %max3A_282, %max3A_291, %max3A_300, %max3A_309, %max3A_318, %max3A_327, %max3A_336, %max3A_345, %max3A_354, %max3A_363, %max3A_372, %max3A_381, %max3A_390, %max3A_399, %max3A_408, %max3A_417, %max3A_426, %max3A_435 in 1 : vector<64x128xf32>, vector<64x128xf32>, vector<64x128xf32>, vector<64x128xf32>, vector<64x128xf32>, vector<64x128xf32>, vector<64x128xf32>, vector<64x128xf32>, vector<64x128xf32>, vector<64x128xf32>, vector<64x128xf32>, vector<64x128xf32>, vector<64x128xf32>, vector<64x128xf32>, vector<64x128xf32>, vector<64x128xf32>, vector<64x128xf32>, vector<64x128xf32>, vector<64x128xf32>, vector<64x128xf32>, vector<64x128xf32>, vector<64x128xf32>, vector<64x128xf32>, vector<64x128xf32>, vector<64x128xf32>, vector<64x128xf32>, vector<64x128xf32>, vector<64x128xf32>, vector<64x128xf32>, vector<64x128xf32>, vector<64x128xf32>, vector<64x128xf32> -> vector<64x4096xf32>
    %dot_general3A_437 = arith.constant dense<0.000000e+00> : vector<64x4096xf32>
    %dot_general3A_438 = tpu.matmul %concatenate3A, %concatenate3A_436, %dot_general3A_437 {dimension_numbers = #tpu.dot_dimension_numbers<[1], [0], [0], [1], [0, 0, 1, 1], [], []>, transpose_lhs_hint = false} : vector<64x64xf32>, vector<64x4096xf32>, vector<64x4096xf32> -> vector<64x4096xf32>
    %add3A_439 = arith.addf %max3A_142, %dot_general3A_438 : vector<64x4096xf32>
    %max3A_440 = arith.constant 0.000000e+00 : f32
    %max3A_441 = vector.broadcast %max3A_440 : f32 to vector<64x4096xf32>
    %max3A_442 = arith.maximumf %add3A_439, %max3A_441 : vector<64x4096xf32>
    %reshape3A = vector.shape_cast %max3A_442 : vector<64x4096xf32> to vector<64x32x128xf32>
    %transpose3A = tpu.transpose %reshape3A, [1, 0, 2] : vector<64x32x128xf32> -> vector<32x64x128xf32>
    %reshape3A_443 = vector.shape_cast %transpose3A : vector<32x64x128xf32> to vector<32x8192xf32>
    %get3A_444 = arith.constant 0 : index
    %get3A_445 = arith.constant 0 : index
    %get3A_446 = arith.constant 0 : index
    %get3A_447 = vector.load %arg5[%get3A_444, %get3A_445, %get3A_446] : memref<64x128x128xf32, #tpu.memory_space<vmem>>, vector<64x128x128xf32>
    %reshape3A_448 = vector.shape_cast %get3A_447 : vector<64x128x128xf32> to vector<8192x128xf32>
    %dot_general3A_449 = arith.constant dense<0.000000e+00> : vector<32x128xf32>
    %dot_general3A_450 = tpu.matmul %reshape3A_443, %reshape3A_448, %dot_general3A_449 {dimension_numbers = #tpu.dot_dimension_numbers<[1], [0], [0], [1], [0, 0, 1, 1], [], []>, transpose_lhs_hint = false} : vector<32x8192xf32>, vector<8192x128xf32>, vector<32x128xf32> -> vector<32x128xf32>
    %get3A_451 = arith.constant 0 : index
    %get3A_452 = vector.load %arg6[%get3A_451] : memref<128xf32, #tpu.memory_space<vmem>>, vector<128xf32>
    %broadcast_in_dim3A_453 = vector.shape_cast %get3A_452 : vector<128xf32> to vector<1x128xf32>
    %add3A_454 = vector.broadcast %broadcast_in_dim3A_453 : vector<1x128xf32> to vector<32x128xf32>
    %add3A_455 = arith.addf %dot_general3A_450, %add3A_454 : vector<32x128xf32>
    %max3A_456 = arith.constant 0.000000e+00 : f32
    %max3A_457 = vector.broadcast %max3A_456 : f32 to vector<32x128xf32>
    %max3A_458 = arith.maximumf %add3A_455, %max3A_457 : vector<32x128xf32>
    %get3A_459 = arith.constant 0 : index
    %get3A_460 = arith.constant 0 : index
    %get3A_461 = vector.load %arg7[%get3A_459, %get3A_460] : memref<128x10xf32, #tpu.memory_space<vmem>>, vector<128x10xf32>
    %dot_general3A_462 = arith.constant dense<0.000000e+00> : vector<32x10xf32>
    %dot_general3A_463 = tpu.matmul %max3A_458, %get3A_461, %dot_general3A_462 {dimension_numbers = #tpu.dot_dimension_numbers<[1], [0], [0], [1], [0, 0, 1, 1], [], []>, transpose_lhs_hint = false} : vector<32x128xf32>, vector<128x10xf32>, vector<32x10xf32> -> vector<32x10xf32>
    %get3A_464 = arith.constant 0 : index
    %get3A_465 = vector.load %arg8[%get3A_464] : memref<10xf32, #tpu.memory_space<vmem>>, vector<10xf32>
    %broadcast_in_dim3A_466 = vector.shape_cast %get3A_465 : vector<10xf32> to vector<1x10xf32>
    %add3A_467 = vector.broadcast %broadcast_in_dim3A_466 : vector<1x10xf32> to vector<32x10xf32>
    %add3A_468 = arith.addf %dot_general3A_463, %add3A_467 : vector<32x10xf32>
    %swap3A = arith.constant 0 : index
    %swap3A_469 = arith.constant 0 : index
    %swap3A_470 = vector.load %arg9[%swap3A, %swap3A_469] : memref<32x10xf32, #tpu.memory_space<vmem>>, vector<32x10xf32>
    tpu.vector_store %arg9[%swap3A, %swap3A_469], %add3A_468 {strides = array<i32>} : memref<32x10xf32, #tpu.memory_space<vmem>>, vector<32x10xf32>,
    return
  }
}

</mosaic_0001>

<sc_bundles>
// kernel: kernel.5.cloned.1.call-start
scs
__scs_entry_jumppad:
0x0: {  	(pc) =	sbr.rel $0x88, $3  }
0x1: {  	(tag) =	ssettag $0x0;
	lr =	simm.s32 $0x1  }
0x2: {  	[smem:$0x3F94] =	sst lr;
	_ =	strace $0xD0000000  }
0x3: {  	_ = 	snop  }
0x4: {  	_ = 	snop  }
0x5: {  	_ = 	snop  }
0x6: {  	_ = 	snop  }
0x7: {  	_ = 	snop  }
__scs_overlays_trampoline_lowered:
0x8: {  	[smem:$0x3FA3] =	sst s0  }
0x9: {  	[smem:$0x3FA4] =	sst s1  }
0xa: {  	[smem:$0x3FA5] =	sst s2  }
0xb: {  	[smem:$0x3FA6] =	sst s3  }
0xc: {  	[smem:$0x3FA7] =	sst s4  }
0xd: {  	[smem:$0x3FA8] =	sst s5  }
0xe: {  	[smem:$0x3FA9] =	sst s6  }
0xf: {  	[smem:$0x3FAA] =	sst s7  }
0x10: {  	[smem:$0x3FAB] =	sst s8  }
0x11: {  	[smem:$0x3FAC] =	sst s9;
	s0 =	simm.s32 @!p0 $0x0  }
0x12: {  	s1 =	sld [smem:$0x3F92];
	s0 =	simm.s32 @p0 $0x1  }
0x13: {  	[smem:$0x3FAD] =	sst s0;
	s0 =	simm.s32 @!p1 $0x0  }
0x14: {  	s2 =	sld [smem:$0x3F91];
	s0 =	simm.s32 @p1 $0x1  }
0x15: {  	[smem:$0x3FAE] =	sst s0;
	s0 =	simm.s32 @!p2 $0x0  }
0x16: {  	s3 =	sld [smem:$0x3FDB];
	s0 =	simm.s32 @p2 $0x1  }
0x17: {  	s4 =	simm.s32 $0x1BF5;
	[smem:$0x3FB0] =	sst s0  }
0x18: {  	s0 =	sld [smem:$0x3F93];
	_ =	swait.ge [sflag:s4], $0x0  }
0x19: {  	s7 =	sld [smem:$0x3F94]  }
0x1a: {  	s8 =	sadd.s32 $0xFFFFE003, lr  }
0x1b: {  	s9 =	sadd.s32 $0xFFFFFEF7, lr;
	s5 =	simm.s32 $0xFFFFFFFF;
	p2 =	slt.u32 s8, $0xFFFFF086  }
0x1c: {  	p1 =	slt.u32 s9, $0xF7A;
	s5 =	simm.s32 @!p2 $0x0  }
0x1d: {  	s5 =	simm.s32 @p1 $0x1;
	p0 =	seq.s32 s7, s2  }
0x1e: {  	s7 =	smul.u32 @!p0 $0xF7A, s2;
	p2 =	seq.s32 @!p0 s5, $0x0  }
0x1f: {  	s9 =	smul.u32 $0xF7A, s1;
	s8 =	simm.s32 @!p0 $0x1BF5;
	p2 =	por !p2, p0  }
0x20: {  	[sflag:s8] =	ssyncset.s32 @!p0 $0xFFFFF086;
	s6 =	sadd.s32 @!p0 s3, s7;
	s7 =	simm.s32 @!p0 $0x108  }
0x21: {  	s3 =	sadd.s32 s3, s9;
	s6 =	sadd.s32 @!p0 $0x88, s6;
	s7 =	simm.s32 @p2 $0x1082  }
0x22: {  	[simem:s7], [sflag:s8] =	dma.local @!p0 [hbm:s6], $0xF7A  }
0x23: {  	s9 =	sor.u32 $0xD0000000, s2;
	s6 =	simm.s32 $0x108;
	_ =	swait.ge @!p0 [sflag:s8], $0x0  }
0x24: {  	s3 =	sadd.s32 $0x88, s3;
	s6 =	simm.s32 @!p1 $0x1082;
	[sflag:s4] =	ssyncset.s32 $0xFFFFF086  }
0x25: {  	[simem:s6], [sflag:s4] =	dma.local [hbm:s3], $0xF7A  }
0x26: {  	[smem:$0x3F94] =	sst s1;
	(tag) =	ssettag s2;
	_ =	strace s9  }
0x27: {  	s1 =	sld [smem:$0x3FA4]  }
0x28: {  	s2 =	sld [smem:$0x3FA5]  }
0x29: {  	s4 =	sld [smem:$0x3FA7]  }
0x2a: {  	p0 =	seq.s32 s5, $0x0;
	s5 =	sld [smem:$0x3FA8]  }
0x2b: {  	s6 =	sld [smem:$0x3FA9]  }
0x2c: {  	s7 =	sld [smem:$0x3FAA]  }
0x2d: {  	s3 =	simm.s32 $0x108;
	s8 =	sld [smem:$0x3FAB]  }
0x2e: {  	s3 =	simm.s32 @!p0 $0x1082;
	s9 =	sld [smem:$0x3FAC]  }
0x2f: {  	lr =	sadd.s32 s0, s3;
	s0 =	sld [smem:$0x3FA3]  }
0x30: {  	s3 =	sld [smem:$0x3FA6]  }
0x31: {  	[smem:$0x3FAF] =	sst s10  }
0x32: {  	s10 =	sld [smem:$0x3FAD];
	_ =	sdelay $0x3  }
0x33: {  	p0 =	seq.s32 s10, $0x1;
	s10 =	sld [smem:$0x3FAF];
	_ =	sdelay $0x3  }
0x34: {  	[smem:$0x3FAF] =	sst s10  }
0x35: {  	s10 =	sld [smem:$0x3FAE];
	_ =	sdelay $0x3  }
0x36: {  	p1 =	seq.s32 s10, $0x1;
	s10 =	sld [smem:$0x3FAF];
	_ =	sdelay $0x3  }
0x37: {  	[smem:$0x3FAF] =	sst s10  }
0x38: {  	s10 =	sld [smem:$0x3FB0]  }
0x39: {  	_ = 	snop;
	(pc) =	sbr.ind lr, $3  }
0x3a: {  	_ = 	snop  }
0x3b: {  	_ = 	snop  }
0x3c: {  	p2 =	seq.s32 s10, $0x1;
	s10 =	sld [smem:$0x3FAF]  }
0x3d: {  	_ =	shalt  }
0x3e: {  	_ =	shalt  }
0x3f: {  	_ =	shalt  }
0x40: {  	_ =	shalt  }
0x41: {  	_ =	shalt  }
0x42: {  	_ =	shalt  }
0x43: {  	_ =	shalt  }
0x44: {  	_ =	shalt  }
0x45: {  	_ =	shalt  }
0x46: {  	_ =	shalt  }
0x47: {  	_ =	shalt  }
0x48: {  	_ =	shalt  }
0x49: {  	_ =	shalt  }
0x4a: {  	_ =	shalt  }
0x4b: {  	_ =	shalt  }
0x4c: {  	_ =	shalt  }
0x4d: {  	_ =	shalt  }
0x4e: {  	_ =	shalt  }
0x4f: {  	_ =	shalt  }
0x50: {  	_ =	shalt  }
0x51: {  	_ =	shalt  }
0x52: {  	_ =	shalt  }
0x53: {  	_ =	shalt  }
0x54: {  	_ =	shalt  }
0x55: {  	_ =	shalt  }
0x56: {  	_ =	shalt  }
0x57: {  	_ =	shalt  }
0x58: {  	_ =	shalt  }
0x59: {  	_ =	shalt  }
0x5a: {  	_ =	shalt  }
0x5b: {  	_ =	shalt  }
0x5c: {  	_ =	shalt  }
0x5d: {  	_ =	shalt  }
0x5e: {  	_ =	shalt  }
0x5f: {  	_ =	shalt  }
0x60: {  	_ =	shalt  }
0x61: {  	_ =	shalt  }
0x62: {  	_ =	shalt  }
0x63: {  	_ =	shalt  }
0x64: {  	_ =	shalt  }
0x65: {  	_ =	shalt  }
0x66: {  	_ =	shalt  }
0x67: {  	_ =	shalt  }
0x68: {  	_ =	shalt  }
0x69: {  	_ =	shalt  }
0x6a: {  	_ =	shalt  }
0x6b: {  	_ =	shalt  }
0x6c: {  	_ =	shalt  }
0x6d: {  	_ =	shalt  }
0x6e: {  	_ =	shalt  }
0x6f: {  	_ =	shalt  }
0x70: {  	_ =	shalt  }
0x71: {  	_ =	shalt  }
0x72: {  	_ =	shalt  }
0x73: {  	_ =	shalt  }
0x74: {  	_ =	shalt  }
0x75: {  	_ =	shalt  }
0x76: {  	_ =	shalt  }
0x77: {  	_ =	shalt  }
0x78: {  	_ =	shalt  }
0x79: {  	_ =	shalt  }
0x7a: {  	_ =	shalt  }
0x7b: {  	_ =	shalt  }
0x7c: {  	_ =	shalt  }
0x7d: {  	_ =	shalt  }
0x7e: {  	_ =	shalt  }
0x7f: {  	_ =	shalt  }
0x80: {  	_ =	shalt  }
0x81: {  	_ =	shalt  }
0x82: {  	_ =	shalt  }
0x83: {  	_ =	shalt  }
0x84: {  	_ =	shalt  }
0x85: {  	_ =	shalt  }
0x86: {  	_ =	shalt  }
0x87: {  	_ =	shalt  }
.Lfunc_end0:
.L_simem_size_0:
called_computation_lowered:
.L_overlay_start_0:
0x88: {  	s2 =	sld [smem:$0x3FD9]  }
0x89: {  	s3 =	sld [smem:$0x3FFE];
	_ =	sdelay $0x1  }
0x8a: {  	s1 =	srdreg.scid  }
0x8b: {  	s0 =	sand.u32 $0x1, s1  }
0x8c: {  	s17 =	sshll.u32 s0, $0xA;
	s2 =	sadd.s32 s3, s2  }
0x8d: {  	s2 =	sadd.s32 s2, s17  }
0x8e: {  	[smem:$0x3FBB] =	sst s2  }
0x8f: {  	_ = 	snop  }
0x90: {  	s2 =	sld [smem:$0x3FC8]  }
0x91: {  	s18 =	sld [smem:$0x3FC7];
	(tm) =	ssettm $0x1  }
0x92: {  	s4 =	sld [smem:$0x3FFB];
	_ =	sdelay $0x3  }
0x93: {  	_ =	strace s4  }
0x94: {  	s4 =	sld [smem:$0x3FFC];
	_ =	sdelay $0x3  }
0x95: {  	_ =	strace s4  }
0x96: {  	s4 =	sld [smem:$0x3FFD];
	_ =	sdelay $0x3  }
0x97: {  	_ =	strace s4  }
0x98: {  	_ =	strace $0x8FFFFFFF  }
0x99: {  	s19 =	sld [smem:$0x3FDB];
	_ =	sdelay $0x1  }
0x9a: {  	s5 =	simm.s32 $_scs_section_size  }
0x9b: {  	s6 =	simm.s32 $_size__tile_overlayer_lowered;
	s7 =	simm.s32 $_tile_overlayer_lowered  }
0x9c: {  	s22 =	simm.s32 $0x1BFF;
	s21 =	sshll.u32 s7, $0x1;
	s4 =	sadd.s32 s5, s19  }
0x9d: {  	s8 =	simm.s32 $0x0;
	s20 =	sshll.u32 s6, $0x1;
	s6 =	sadd.s32 s21, s4  }
0x9e: {  	[timem:s8], [sflag:s22] =	dma.local [hbm:s6], s20  }
0x9f: {  	_ =	swait.ge [sflag:s22], s20  }
0xa0: {  	s5 =	ssub.s32 $0x0, s20;
	[sflag:s22] =	ssyncset.done $0x0  }
0xa1: {  	[sflag:s22] =	ssyncadd.s32 s5;
	_ =	sdelay $0x1  }
0xa2: {  	s23 =	simm.s32 $0x1B8B  }
0xa3: {  	_ =	swait.ge [sflag:s23], $0x1  }
0xa4: {  	[sflag:s23] =	ssyncset.done $0x0  }
0xa5: {  	s25 =	simm.s32 $0x1B8E;
	s24 =	sld [smem:$0x3FFE];
	[sflag:s23] =	ssyncadd.s32 $0xFFFFFFFF  }
0xa6: {  	s26 =	simm.s32 $execute0_lowered;
	[smem:$0x3FD2] =	sst s25  }
0xa7: {  	s6 =	sshll.u32 s26, $0x1;
	_ =	strace $0x80000046;
	[dreg:$0x1] =	wrdreg $0xFFFFFFFF  }
0xa8: {  	s28 =	simm.s32 $_size_execute0_lowered;
	s4 =	sadd.s32 s4, s6;
	[dreg:$0x0] =	wrdreg $0x0  }
0xa9: {  	s6 =	sshll.u32 s28, $0x1;
	[dreg:$0x2] =	wrdreg s4  }
0xaa: {  	[dreg:$0x3] =	wrdreg s6  }
0xab: {  	[dreg:$0x4] =	wrdreg $0xC0  }
0xac: {  	_ =	task [dreg:s8], $0x5FFFF  }
0xad: {  	[dreg:$0x1] =	wrdreg $0xFFFFFFFF  }
0xae: {  	[dreg:$0x0] =	wrdreg $0x60  }
0xaf: {  	[dreg:$0x2] =	wrdreg s2  }
0xb0: {  	[dreg:$0x3] =	wrdreg s18  }
0xb1: {  	[dreg:$0x4] =	wrdreg s24  }
0xb2: {  	[dreg:$0x5] =	wrdreg $0x2000  }
0xb3: {  	[dreg:$0x6] =	wrdreg $0x9  }
0xb4: {  	_ =	task.clear_ibuf [dreg:s8], $0x7FFFF;
	_ =	strace $0x90000046  }
0xb5: {  	s29 =	simm.s32 $0x9;
	_ =	strace $0x80000048  }
0xb6: {  	_ =	swait.ge [sflag:s29], $0x1  }
0xb7: {  	[sflag:s29] =	ssyncadd.s32 $0xFFFFFFFF  }
0xb8: {  	_ =	strace $0x90000048  }
0xb9: {  	_ =	sfence  }
0xba: {  	s30 =	sld [smem:$0x0];
	_ =	sdelay $0x2  }
0xbb: {  	s31 =	sshll.u32 s1, $0xD;
	s1 =	sshrl.u32 s1, $0x2  }
0xbc: {  	s3 =	sand.u32 $0x4000, s31;
	s1 =	sadd.s32 s1, s30  }
0xbd: {  	s0 =	sor.u32 s3, s0;
	s1 =	sshll.u32 s1, $0x11  }
0xbe: {  	s0 =	sor.u32 s1, s0  }
0xbf: {  	s0 =	sadd.s32 $0x8F2B, s0  }
0xc0: {  	[sflag:s0] =	ssyncadd.remote.s32 $0x1  }
0xc1: {  	_ =	sfence.sel $0xFFFF  }
0xc2: {  	[dreg:$0x0] =	wrdreg $0xFFFFFFFF;
	(pc) =	sbr.abs _section_cstart, $3  }
0xc3: {  	[dreg:$0x1] =	wrdreg $0xFFFFFFFF  }
0xc4: {  	_ =	task.clear_ibuf [dreg:s8], $0x2FFFF;
	_ =	strace $0x9FFFFFFF  }
0xc5: {  	(tm) =	ssettm $0x7FFFFFFF  }
tec
execute0_lowered:
.L_overlay_start_1:
0x0: {  	(tag) =	ssettag $0x1  }
0x1: {  	s0 =	srdreg.scid  }
0x2: {  	s13 =	sand.u32 $0x1, s0;
	s0 =	stileid.u32  }
0x3: {  	s4 =	rddreg [dreg:$0x0];
	s15 =	sshll.u32 s0, $0x6;
	s1 =	sshll.u32 s13, $0x5  }
0x4: {  	s8 =	rddreg [dreg:$0x1];
	s29 =	sshll.u32 s0, $0x7;
	s7 =	sor.u32 s1, s15  }
0x5: {  	s14 =	rddreg [dreg:$0x2];
	s5 =	sand.u32 $0x700, s29;
	s6 =	sand.u32 $0x60, s7  }
0x6: {  	s2 =	rddreg [dreg:$0x3];
	s3 =	simm.s32 $0x0;
	s5 =	sor.u32 s5, s6  }
0x7: {  	[smem:$0x7FF] =	sst s3;
	s5 =	sshrl.u32 s5, $0x3  }
0x8: {  	s1 =	rddreg [dreg:$0x4];
	_ =	strace $0x80000047;
	s5 =	sadd.s32 s4, s5  }
0x9: {  	[tilespmem:s3], [sflag:$0x1] =	stream.linear.gather [hbm4b:s5+s3], $0x20, $0x38;
	[tilespmem:$0x400] =	vst v63  }
0xa: {  	s30 =	sshrl.u32 s7, $0x3;
	s7 =	simm.s32 $0x80;
	s6 =	sadd.s32 $0x10, s5  }
0xb: {  	[tilespmem:s7], [sflag:$0x1] =	stream.linear.gather [hbm4b:s6+s3], $0x20, $0x38;
	[tilespmem:$0x400] =	vst v63  }
0xc: {  	s8 =	sadd.s32 s8, s30;
	s4 =	simm.s32 $0x100  }
0xd: {  	v0 =	vimm.f32 $0.0e+00;
	[tilespmem:s4], [sflag:$0x2] =	stream.linear.gather [hbm4b:s8+s3], $0x20, $0x38;
	[tilespmem:$0x400] =	vst v63  }
0xe: {  	[tilespmem:$0x3F0] =	vst v0  }
0xf: {  	[tilespmem:$0x3E0] =	vst v0  }
0x10: {  	[tilespmem:$0x3D0] =	vst v0  }
0x11: {  	[tilespmem:$0x3C0] =	vst v0  }
0x12: {  	[tilespmem:$0x3B0] =	vst v0  }
0x13: {  	[tilespmem:$0x3A0] =	vst v0  }
0x14: {  	[tilespmem:$0x390] =	vst v0  }
0x15: {  	[tilespmem:$0x380] =	vst v0  }
0x16: {  	[tilespmem:$0x370] =	vst v0  }
0x17: {  	[tilespmem:$0x360] =	vst v0  }
0x18: {  	[tilespmem:$0x350] =	vst v0  }
0x19: {  	[tilespmem:$0x340] =	vst v0  }
0x1a: {  	[tilespmem:$0x330] =	vst v0  }
0x1b: {  	[tilespmem:$0x320] =	vst v0  }
0x1c: {  	s9 =	sshll.u32 s0, $0x8;
	[tilespmem:$0x300] =	vst v0  }
0x1d: {  	s12 =	simm.s32 $0x300;
	s11 =	sadd.s32 s9, s2;
	s9 =	simm.s32 $0x3;
	[tilespmem:$0x310] =	vst v0  }
0x1e: {  	[spmem:s11] =	stream.linear.scatter [tilespmem:s12], [sflag:$0x3], $0x100, $0x38;
	[tilespmem:$0x400] =	vst v63  }
0x1f: {  	_ =	swait.ge [sflag:s9], $0x100  }
0x20: {  	[sflag:s9] =	ssyncset.done $0x0  }
0x21: {  	s10 =	simm.s32 $0x1;
	[sflag:s9] =	ssyncadd.s32 $0xFFFFFF00  }
0x22: {  	s16 =	sshll.u32 s13, $0x4;
	s13 =	ssub.s32 $0x2, s13;
	_ =	swait.ge [sflag:s10], $0x20  }
0x23: {  	s31 =	sshrl.u32 s13, $0x1;
	[sflag:s10] =	ssyncset.done $0x0  }
0x24: {  	s14 =	sadd.s32 s16, s14;
	s16 =	ssub.s32 s13, s31;
	[sflag:s10] =	ssyncadd.s32 $0xFFFFFFE0  }
0x25: {  	s20 =	smax.u32 s16, $0x1;
	_ =	swait.ge [sflag:s10], $0x20  }
0x26: {  	p0 =	sne.s32 s20, $0x1;
	[sflag:s10] =	ssyncset.done $0x0  }
.Ltmp0:
0x27: {  	[sflag:s10] =	ssyncadd.s32 $0xFFFFFFE0;
	(pc) =	sbr.rel @!p0 .LBB2_2-.Ltmp0, $4  }
0x28: {  	v1 =	vld [tilespmem:$0x10]  }
0x29: {  	s18 =	simm.s32 $0x180;
	s19 =	simm.s32 $0x10;
	s14 =	sadd.s32 s15, s14;
	v2 =	vld [tilespmem:$0x90]  }
0x2a: {  	s15 =	sor.u32 $0x1C03, s15;
	s17 =	sshrl.u32 s11, $0x3;
	s13 =	sadd.s32 $0x1C00, s14;
	v3 =	vld [tilespmem:$0x80]  }
0x2b: {  	s16 =	simm.s32 $0x2;
	s14 =	simm.s32 $0x20;
	s20 =	sadd.s32 $0xFFFFFFFF, s20;
	v4 =	vld [tilespmem:$0x0]  }
.LBB2_1:
0x2c: {  	_ = 	snop  }
0x2d: {  	p0 =	sne.s32 s20, $0x1;
	s20 =	sadd.s32 $0xFFFFFFFF, s20  }
0x2e: {  	v2 =	vshll.u32 v2, $0x6  }
0x2f: {  	v3 =	vshll.u32 v3, $0x6;
	v1 =	vadd.s32 v1, v2  }
0x30: {  	v2 =	vadd.s32 v4, v3;
	[tilespmem:$0x190] =	vst v1  }
0x31: {  	[tilespmem:$0x180] =	vst v2  }
0x32: {  	_ =	swait.ge [sflag:s16], $0x20  }
0x33: {  	[sflag:s16] =	ssyncset.done $0x0  }
0x34: {  	[sflag:s16] =	ssyncadd.s32 $0xFFFFFFE0  }
0x35: {  	[bflag:$0x0] =	sbarrier.arrive $0xFFFF  }
0x36: {  	[spmem:s2] =	stream.indirect.scatter.add.f32 [tilespmem:s4], [sflag:$0x3], $0x1, s18, s14, $0xb8;
	[tilespmem:$0x400] =	vst v63  }
0x37: {  	_ =	swait.ge [sflag:s9], $0x20  }
0x38: {  	[sflag:s9] =	ssyncset.done $0x0  }
0x39: {  	[sflag:s9] =	ssyncadd.s32 $0xFFFFFFE0  }
0x3a: {  	[bflag:$0x0] =	sbarrier.arrive $0xFFFF  }
0x3b: {  	[hbm:s13@s14], [sflag:s15] =	dma.strided [spmem:s17@s19], $0x20, s10, $0x10   }
0x3c: {  	_ =	swait.ge [sflag:s9], $0x20  }
0x3d: {  	[sflag:s9] =	ssyncset.done $0x0  }
0x3e: {  	[sflag:s9] =	ssyncadd.s32 $0xFFFFFFE0  }
0x3f: {  	[tilespmem:s3], [sflag:$0x1] =	stream.linear.gather [hbm4b:s5+s3], $0x20, $0x38;
	[tilespmem:$0x400] =	vst v63  }
0x40: {  	_ = 	snop  }
0x41: {  	[tilespmem:s7], [sflag:$0x1] =	stream.linear.gather [hbm4b:s6+s3], $0x20, $0x38;
	[tilespmem:$0x400] =	vst v63  }
0x42: {  	_ = 	snop  }
0x43: {  	[tilespmem:s4], [sflag:$0x2] =	stream.linear.gather [hbm4b:s8+s3], $0x20, $0x38;
	[tilespmem:$0x400] =	vst v63  }
0x44: {  	[tilespmem:$0x3F0] =	vst v0  }
0x45: {  	[tilespmem:$0x3E0] =	vst v0  }
0x46: {  	[tilespmem:$0x3D0] =	vst v0  }
0x47: {  	[tilespmem:$0x3C0] =	vst v0  }
0x48: {  	[tilespmem:$0x3B0] =	vst v0  }
0x49: {  	[tilespmem:$0x3A0] =	vst v0  }
0x4a: {  	[tilespmem:$0x390] =	vst v0  }
0x4b: {  	[tilespmem:$0x380] =	vst v0  }
0x4c: {  	[tilespmem:$0x370] =	vst v0  }
0x4d: {  	[tilespmem:$0x360] =	vst v0  }
0x4e: {  	[tilespmem:$0x350] =	vst v0  }
0x4f: {  	[tilespmem:$0x340] =	vst v0  }
0x50: {  	[tilespmem:$0x330] =	vst v0  }
0x51: {  	[tilespmem:$0x320] =	vst v0  }
0x52: {  	[tilespmem:$0x300] =	vst v0  }
0x53: {  	[tilespmem:$0x310] =	vst v0  }
0x54: {  	[spmem:s11] =	stream.linear.scatter [tilespmem:s12], [sflag:$0x3], $0x100, $0x38;
	[tilespmem:$0x400] =	vst v63  }
0x55: {  	_ =	swait.ge [sflag:s9], $0x100  }
0x56: {  	[sflag:s9] =	ssyncset.done $0x0  }
0x57: {  	[sflag:s9] =	ssyncadd.s32 $0xFFFFFF00  }
0x58: {  	_ =	swait.ge [sflag:s10], $0x20  }
0x59: {  	[sflag:s10] =	ssyncset.done $0x0  }
0x5a: {  	[sflag:s10] =	ssyncadd.s32 $0xFFFFFFE0  }
0x5b: {  	_ =	swait.ge [sflag:s10], $0x20  }
0x5c: {  	[sflag:s10] =	ssyncset.done $0x0  }
.Ltmp1:
0x5d: {  	[sflag:s10] =	ssyncadd.s32 $0xFFFFFFE0;
	(pc) =	sbr.rel @p0 .LBB2_1-.Ltmp1, $4  }
0x5e: {  	v1 =	vld [tilespmem:$0x10]  }
0x5f: {  	v2 =	vld [tilespmem:$0x90]  }
0x60: {  	v3 =	vld [tilespmem:$0x80]  }
0x61: {  	v4 =	vld [tilespmem:$0x0]  }
.LBB2_2:
0x62: {  	_ =	sdelay $0x1  }
0x63: {  	v0 =	vshll.u32 v2, $0x6  }
0x64: {  	v62 =	vshll.u32 v3, $0x6;
	v0 =	vadd.s32 v1, v0  }
0x65: {  	v63 =	vadd.s32 v4, v62;
	[tilespmem:$0x190] =	vst v0  }
0x66: {  	[tilespmem:$0x180] =	vst v63  }
0x67: {  	_ =	swait.ge [sflag:s16], $0x20  }
0x68: {  	[sflag:s16] =	ssyncset.done $0x0  }
0x69: {  	[sflag:s16] =	ssyncadd.s32 $0xFFFFFFE0  }
0x6a: {  	[bflag:$0x0] =	sbarrier.arrive $0xFFFF  }
0x6b: {  	[spmem:s2] =	stream.indirect.scatter.add.f32 [tilespmem:s4], [sflag:$0x3], $0x1, s18, s14, $0xb8;
	[tilespmem:$0x400] =	vst v63  }
0x6c: {  	_ =	swait.ge [sflag:s9], $0x20  }
0x6d: {  	[sflag:s9] =	ssyncset.done $0x0  }
0x6e: {  	[sflag:s9] =	ssyncadd.s32 $0xFFFFFFE0  }
0x6f: {  	[bflag:$0x0] =	sbarrier.arrive $0xFFFF  }
0x70: {  	[hbm:s13@s14], [sflag:s15] =	dma.strided [spmem:s17@s19], $0x20, s10, $0x10   }
0x71: {  	_ =	swait.ge [sflag:s9], $0x20  }
0x72: {  	[sflag:s9] =	ssyncset.done $0x0  }
0x73: {  	[sflag:s9] =	ssyncadd.s32 $0xFFFFFFE0  }
0x74: {  	_ =	sfence.sel $0x180000  }
0x75: {  	[bflag:$0x0] =	sbarrier.arrive $0xFFFF  }
0x76: {  	p0 =	sne.s32 s0, $0x0;
	_ =	strace $0x90000047  }
0x77: {  	s0 =	sadd.s32 @!p0 $0x100000, s1;
	[bflag:$0x2] =	sbarrier.arrive $0xFFFF  }
0x78: {  	[sflag:s0] =	ssyncadd.tile.s32 @!p0 $0x1;
	_ =	shalt  }
.Lfunc_end2:
_tile_overlayer_lowered:
.L_overlay_start_2:
0x79: {  	(tag) =	ssettag $0x2  }
0x7a: {  	s0 =	rddreg [dreg:$0x0];
	s2 =	stileid.u32  }
0x7b: {  	s1 =	rddreg [dreg:$0x1];
	p0 =	sne.s32 s2, $0x0  }
0x7c: {  	s3 =	rddreg [dreg:$0x2];
	[bflag:$0x3] =	sbarrier.arrive $0xFFFF;
	s2 =	simm.s32 @!p0 $0x1C03  }
0x7d: {  	[timem:s3], [sflag:s2] =	dma.local @!p0 [hbm:s0], s1  }
0x7e: {  	s0 =	simm.s32 @!p0 $0x3  }
0x7f: {  	_ =	swait.ge @!p0 [sflag:s0], s1  }
0x80: {  	s1 =	ssub.s32 @!p0 $0x0, s1;
	[sflag:s0] =	ssyncset.done @!p0 $0x0  }
0x81: {  	[sflag:s0] =	ssyncadd.s32 @!p0 s1  }
0x82: {  	[bflag:$0x3] =	sbarrier.arrive $0xFFFF  }
0x83: {  	_ =	shalt  }

</sc_bundles>
